<compile_context>
chip_gen: v7x
topology: tpu7x:2x2x1
jax: 0.10.2.dev20260603
libtpu: 0.0.44.dev20260713+nightly
codegen_flags: <defaults>
</compile_context>

<pallas_src>
import functools
import jax
import jax.numpy as jnp
from jax import lax
from jax.experimental import pallas as pl
from jax.experimental.pallas import tpu as pltpu, tpu_sc as plsc

B = 4096
K = 8192
D = 3
NBUCK = 2048
QS = 512
NQV = QS // 16
NKV = K // 16
NBV = NBUCK // 16

_mesh = plsc.VectorSubcoreMesh(core_axis_name="c", subcore_axis_name="s")


@functools.partial(
    pl.kernel,
    out_type=[
        jax.ShapeDtypeStruct((D * B,), jnp.int32),
        jax.ShapeDtypeStruct((D * B,), jnp.float32),
    ],
    mesh=_mesh,
    compiler_params=pltpu.CompilerParams(needs_layout_passes=False),
    scratch_types=[
        pltpu.VMEM((K,), jnp.float32),
        pltpu.VMEM((D * QS,), jnp.float32),
        pltpu.VMEM((QS,), jnp.float32),
        pltpu.VMEM((K,), jnp.int32),
        pltpu.VMEM((K,), jnp.float32),
        pltpu.VMEM((K,), jnp.int32),
        pltpu.VMEM((NBUCK,), jnp.int32),
        pltpu.VMEM((NBUCK + 16,), jnp.int32),
        pltpu.VMEM((NBUCK,), jnp.int32),
        pltpu.VMEM((NBUCK,), jnp.int32),
        pltpu.VMEM((NBUCK,), jnp.int32),
        pltpu.VMEM((QS,), jnp.int32),
        pltpu.VMEM((QS,), jnp.float32),
    ],
)
def _vq_sc(qh, eh, zh, zqh, ev, qblk, qv, bbv, svv, sxv, cntv, startv, basev,
           wlov, whiv, zv, zqv):
    cid = lax.axis_index("c")
    sid = lax.axis_index("s")
    wid = sid * 2 + cid
    d = wid % 4
    r = wid // 4
    lane = lax.broadcasted_iota(jnp.int32, (16,), 0)
    l15 = jnp.full((16,), 15, jnp.int32)
    l0 = jnp.full((16,), 0, jnp.int32)
    lane3 = lane * 3

    @pl.when(d < D)
    def _():
        qoff = d * B + r * QS
        pltpu.sync_copy(eh.at[pl.ds(d * K, K)], ev)
        pltpu.sync_copy(qh.at[pl.ds(r * QS * D, QS * D)], qblk)

        def deint_q(i, _):
            for u in range(4):
                j = i * 4 + u
                idx = lane3 + (j * 48 + d)
                qv[pl.ds(j * 16, 16)] = plsc.load_gather(qblk, [idx])
            return 0

        lax.fori_loop(0, NQV // 4, deint_q, 0)

        def mm_body(i, c):
            mn, mx = c
            for u in range(4):
                v = ev[pl.ds((i * 4 + u) * 16, 16)]
                mn = jnp.minimum(mn, v)
                mx = jnp.maximum(mx, v)
            return mn, mx

        mn, mx = lax.fori_loop(
            0, NKV // 4, mm_body,
            (jnp.full((16,), jnp.inf, jnp.float32),
             jnp.full((16,), -jnp.inf, jnp.float32)),
        )
        mnv = jnp.broadcast_to(jnp.min(mn), (16,))
        rngv = jnp.broadcast_to(jnp.max(mx), (16,)) - mnv
        scv = jnp.where(rngv > 0.0, (NBUCK - 1.0) / rngv, 0.0)

        def zero_body(i, _):
            for u in range(4):
                cntv[pl.ds((i * 4 + u) * 16, 16)] = jnp.zeros((16,), jnp.int32)
            return 0

        lax.fori_loop(0, NBV // 4, zero_body, 0)

        def hist_body(i, _):
            for u in range(8):
                j = i * 8 + u
                v = ev[pl.ds(j * 16, 16)]
                b = jnp.clip((v - mnv) * scv, 0.0,
                             NBUCK - 1.0).astype(jnp.int32)
                bbv[pl.ds(j * 16, 16)] = b
                plsc.addupdate_scatter(cntv, [b],
                                       jnp.full((16,), 1, jnp.int32))
            return 0

        lax.fori_loop(0, NKV // 8, hist_body, 0)

        def pref_body(i, carry):
            for u in range(2):
                j = i * 2 + u
                c = cntv[pl.ds(j * 16, 16)]
                s = plsc.cumsum(c)
                excl = (s - c) + carry
                startv[pl.ds(j * 16, 16)] = excl
                basev[pl.ds(j * 16, 16)] = excl
                carry = carry + s[l15]
            return carry

        carry = lax.fori_loop(0, NBV // 2, pref_body,
                              jnp.zeros((16,), jnp.int32))
        startv[pl.ds(NBUCK, 16)] = carry

        def scat_body(i, _):
            for u in range(4):
                j = i * 4 + u
                b = bbv[pl.ds(j * 16, 16)]
                v = ev[pl.ds(j * 16, 16)]
                rc, is_last = plsc.scan_count(b)
                slot = plsc.load_gather(basev, [b]) + (rc - 1)
                plsc.store_scatter(svv, [slot], v)
                plsc.store_scatter(sxv, [slot], lane + j * 16)
                plsc.addupdate_scatter(basev, [b], rc, mask=is_last)
            return 0

        lax.fori_loop(0, NKV // 4, scat_body, 0)

        def fwd_body(i, carry):
            for u in range(2):
                j = i * 2 + u
                c = cntv[pl.ds(j * 16, 16)]
                g = lane + j * 16
                cand = jnp.where(c > 0, g, -1)
                incl = plsc.cummax(cand)
                shifted = incl[jnp.maximum(lane - 1, 0)]
                prevne = jnp.maximum(carry, jnp.where(lane == 0, -1, shifted))
                wl = plsc.load_gather(
                    startv, [jnp.where(prevne >= 0, prevne, g)])
                wlov[pl.ds(j * 16, 16)] = wl
                carry = jnp.maximum(carry, incl[l15])
            return carry

        lax.fori_loop(0, NBV // 2, fwd_body, jnp.full((16,), -1, jnp.int32))

        def bwd_body(jj, carry):
            for u in range(2):
                j = (NBV - 1) - (jj * 2 + u)
                c = cntv[pl.ds(j * 16, 16)]
                g = lane + j * 16
                cand = jnp.where(c > 0, g, NBUCK)
                suf = -lax.rev(plsc.cummax(lax.rev(-cand, (0,))), (0,))
                shifted = suf[jnp.minimum(lane + 1, 15)]
                nextne = jnp.minimum(
                    carry, jnp.where(lane == 15, NBUCK, shifted))
                wh = plsc.load_gather(
                    startv, [jnp.where(nextne < NBUCK, nextne, g) + 1])
                whiv[pl.ds(j * 16, 16)] = wh
                carry = jnp.minimum(carry, suf[l0])
            return carry

        lax.fori_loop(0, NBV // 2, bwd_body,
                      jnp.full((16,), NBUCK, jnp.int32))

        def q_body(qi, _):
            q = qv[pl.ds(qi * 16, 16)]
            g = jnp.clip((q - mnv) * scv, 0.0, NBUCK - 1.0).astype(jnp.int32)
            wl = plsc.load_gather(wlov, [g])
            wh = plsc.load_gather(whiv, [g])

            def s_body(t, st):
                best, bidx, bval = st
                pos = wl + t
                m = pos < wh
                posc = jnp.where(m, pos, 0)
                sv = plsc.load_gather(svv, [posc])
                sx = jnp.where(m, plsc.load_gather(sxv, [posc]), K)
                diff = q - sv
                d2 = jnp.where(m, diff * diff, jnp.inf)
                better = (d2 < best) | ((d2 == best) & (sx < bidx))
                return (jnp.where(better, d2, best),
                        jnp.where(better, sx, bidx),
                        jnp.where(better, sv, bval))

            best, bidx, bval = lax.fori_loop(
                0, jnp.max(wh - wl), s_body,
                (jnp.full((16,), jnp.inf, jnp.float32),
                 jnp.full((16,), K, jnp.int32),
                 jnp.zeros((16,), jnp.float32)),
            )
            zv[pl.ds(qi * 16, 16)] = bidx
            zqv[pl.ds(qi * 16, 16)] = bval
            return 0

        lax.fori_loop(0, NQV, q_body, 0)

        pltpu.sync_copy(zv, zh.at[pl.ds(qoff, QS)])
        pltpu.sync_copy(zqv, zqh.at[pl.ds(qoff, QS)])


def kernel(ze, e):
    qflat = ze.reshape(D * B)
    eflat = e.T.reshape(D * K)
    zf, zqf = _vq_sc(qflat, eflat)
    z = zf.reshape(D, B).T
    zq = zqf.reshape(D, B).T
    return (z, zq)

# --- scband reference (transcript-rebuilt; emitter-appended) ---
"""Pipeline reference for scband-vq-86139864089353 (READ-ONLY COPY).

The authoritative reference and input builder live on the scoring server;
editing this copy changes nothing except your own understanding.
"""

import jax, jax.numpy as jnp
import numpy as np

K = 8192
D = 3
B = 4096

def setup_inputs(seed: int = 0) -> dict:
    key = jax.random.key(seed)
    k1, k2 = jax.random.split(key)
    ze = jax.random.normal(k1, (B, D, 1), dtype=jnp.float32)
    e = jax.random.normal(k2, (K, D), dtype=jnp.float32)
    return {"ze": ze, "e": e}

def reference(ze, e):
    # l2diff: (ze.transpose(2,1) - e[None]) ** 2 -> [B, K, D]
    l2diff = (jnp.transpose(ze, (0, 2, 1)) - e[None, :, :]) ** 2
    # per-dimension nearest code index: argmin over K -> [B, D]
    z = jnp.argmin(l2diff, axis=1)
    # gather each coordinate from its own nearest code row
    zq = jnp.concatenate(
        (e[z[:, 0], 0, None], e[z[:, 1], 1, None], e[z[:, 2], 2, None]), axis=-1
    )
    return (z, zq)

if __name__ == "__main__":
    import jax
    _d = setup_inputs()
    print(jax.jit(kernel)(*tuple(_d.values())))

</pallas_src>

<mosaic_0001>
#map = affine_map<(d0, d1) -> (0)>
module attributes {stable_mosaic.version = 14 : i64} {
  func.func @_vq_sc(%arg0: i32, %arg1: i32, %arg2: memref<12288xf32, #tpu.memory_space<hbm>>, %arg3: memref<24576xf32, #tpu.memory_space<hbm>>, %arg4: memref<12288xi32, #tpu.memory_space<hbm>>, %arg5: memref<12288xf32, #tpu.memory_space<hbm>>, %arg6: memref<8192xf32, #tpu.memory_space<vmem>>, %arg7: memref<1536xf32, #tpu.memory_space<vmem>>, %arg8: memref<512xf32, #tpu.memory_space<vmem>>, %arg9: memref<8192xi32, #tpu.memory_space<vmem>>, %arg10: memref<8192xf32, #tpu.memory_space<vmem>>, %arg11: memref<8192xi32, #tpu.memory_space<vmem>>, %arg12: memref<2048xi32, #tpu.memory_space<vmem>>, %arg13: memref<2064xi32, #tpu.memory_space<vmem>>, %arg14: memref<2048xi32, #tpu.memory_space<vmem>>, %arg15: memref<2048xi32, #tpu.memory_space<vmem>>, %arg16: memref<2048xi32, #tpu.memory_space<vmem>>, %arg17: memref<512xi32, #tpu.memory_space<vmem>>, %arg18: memref<512xf32, #tpu.memory_space<vmem>>) attributes {dimension_semantics = [#tpu.dimension_semantics<core_parallel>, #tpu.dimension_semantics<subcore_parallel>], iteration_bounds = array<i64: 2, 16>, scalar_prefetch = 0 : i64, scratch_operands = 13 : i64, tpu.core_type = #tpu.core_type<sc_vector_subcore>, window_params = [{transform_indices = #map}, {transform_indices = #map}, {transform_indices = #map}, {transform_indices = #map}]} {
    %mul3A = arith.constant 2 : i32
    %mul3A_0 = arith.muli %arg1, %mul3A : i32
    %add3A = arith.addi %mul3A_0, %arg0 : i32
    %jit3A = arith.constant 4 : i32
    %eq3A = arith.constant 0 : i32
    %eq3A_1 = arith.cmpi eq, %jit3A, %eq3A : i32
    %jit3A_2 = arith.constant 1 : i32
    %select_n3A = arith.select %eq3A_1, %jit3A_2, %jit3A : i32
    %rem3A = arith.remsi %add3A, %select_n3A : i32
    %ne3A = arith.constant 0 : i32
    %ne3A_3 = arith.cmpi ne, %rem3A, %ne3A : i32
    %lt3A = arith.constant 0 : i32
    %lt3A_4 = arith.cmpi slt, %rem3A, %lt3A : i32
    %lt3A_5 = arith.constant 0 : i32
    %lt3A_6 = arith.cmpi slt, %select_n3A, %lt3A_5 : i32
    %ne3A_7 = arith.xori %lt3A_4, %lt3A_6 : i1
    %and3A = arith.andi %ne3A_7, %ne3A_3 : i1
    %add3A_8 = arith.addi %rem3A, %select_n3A : i32
    %select_n3A_9 = arith.select %and3A, %add3A_8, %rem3A : i32
    %jit3A_10 = arith.constant 4 : i32
    %div3A = arith.divsi %add3A, %jit3A_10 : i32
    %sign3A = arith.constant 0 : i32
    %sign3A_11 = arith.cmpi sgt, %add3A, %sign3A : i32
    %sign3A_12 = arith.extui %sign3A_11 : i1 to i32
    %sign3A_13 = arith.constant 0 : i32
    %sign3A_14 = arith.cmpi slt, %add3A, %sign3A_13 : i32
    %sign3A_15 = arith.extui %sign3A_14 : i1 to i32
    %sign3A_16 = arith.subi %sign3A_12, %sign3A_15 : i32
    %sign3A_17 = arith.constant 0 : i32
    %sign3A_18 = arith.cmpi sgt, %jit3A_10, %sign3A_17 : i32
    %sign3A_19 = arith.extui %sign3A_18 : i1 to i32
    %sign3A_20 = arith.constant 0 : i32
    %sign3A_21 = arith.cmpi slt, %jit3A_10, %sign3A_20 : i32
    %sign3A_22 = arith.extui %sign3A_21 : i1 to i32
    %sign3A_23 = arith.subi %sign3A_19, %sign3A_22 : i32
    %ne3A_24 = arith.cmpi ne, %sign3A_16, %sign3A_23 : i32
    %rem3A_25 = arith.remsi %add3A, %jit3A_10 : i32
    %ne3A_26 = arith.constant 0 : i32
    %ne3A_27 = arith.cmpi ne, %rem3A_25, %ne3A_26 : i32
    %and3A_28 = arith.andi %ne3A_24, %ne3A_27 : i1
    %sub3A = arith.constant 1 : i32
    %sub3A_29 = arith.subi %div3A, %sub3A : i32
    %select_n3A_30 = arith.select %and3A_28, %sub3A_29, %div3A : i32
    %iota3A = tpu.iota {dimensions = array<i32: 0>} : vector<16xi32>
    %broadcast_in_dim3A = arith.constant 15 : i32
    %broadcast_in_dim3A_31 = vector.broadcast %broadcast_in_dim3A : i32 to vector<16xi32>
    %broadcast_in_dim3A_32 = arith.constant 0 : i32
    %broadcast_in_dim3A_33 = vector.broadcast %broadcast_in_dim3A_32 : i32 to vector<16xi32>
    %mul3A_34 = arith.constant 3 : i32
    %mul3A_35 = vector.broadcast %mul3A_34 : i32 to vector<16xi32>
    %mul3A_36 = arith.muli %iota3A, %mul3A_35 : vector<16xi32>
    %lt3A_37 = arith.constant 3 : i32
    %lt3A_38 = arith.cmpi slt, %select_n3A_9, %lt3A_37 : i32
    %convert_element_type3A = arith.extui %lt3A_38 : i1 to i32
    %cond3A = arith.constant 0 : i32
    %cond3A_39 = arith.cmpi ne, %convert_element_type3A, %cond3A : i32
    scf.if %cond3A_39 {
      %mul3A_40 = arith.constant 4096 : i32
      %mul3A_41 = arith.muli %select_n3A_9, %mul3A_40 : i32
      %mul3A_42 = arith.constant 512 : i32
      %mul3A_43 = arith.muli %select_n3A_30, %mul3A_42 : i32
      %add3A_44 = arith.addi %mul3A_41, %mul3A_43 : i32
      %mul3A_45 = arith.constant 8192 : i32
      %mul3A_46 = arith.muli %select_n3A_9, %mul3A_45 : i32
      "tpu.region"() ({
        %run_scoped3A = tpu.sem_alloc : memref<!tpu.dma_semaphore, #tpu.memory_space<semaphore_mem>>
        %dma_start3A = tpu.memref_slice %arg3[%mul3A_46] : memref<24576xf32, #tpu.memory_space<hbm>> -> memref<8192xf32, #tpu.memory_space<hbm>>
        %dma_start3A_137 = tpu.memref_slice %arg3[%mul3A_46] : memref<24576xf32, #tpu.memory_space<hbm>> -> memref<8192xf32, #tpu.memory_space<hbm>>
        tpu.enqueue_dma source(%dma_start3A_137 : memref<8192xf32, #tpu.memory_space<hbm>>) target(%arg6 : memref<8192xf32, #tpu.memory_space<vmem>>) target_semaphore(%run_scoped3A : memref<!tpu.dma_semaphore, #tpu.memory_space<semaphore_mem>>)
        %dma_wait3A = tpu.memref_slice %arg3[%mul3A_46] : memref<24576xf32, #tpu.memory_space<hbm>> -> memref<8192xf32, #tpu.memory_space<hbm>>
        %dma_wait3A_138 = tpu.memref_slice %arg3[%mul3A_46] : memref<24576xf32, #tpu.memory_space<hbm>> -> memref<8192xf32, #tpu.memory_space<hbm>>
        tpu.wait_dma2 semaphore(%run_scoped3A : memref<!tpu.dma_semaphore, #tpu.memory_space<semaphore_mem>>) src(%dma_wait3A_138 : memref<8192xf32, #tpu.memory_space<hbm>>) dst(%arg6 : memref<8192xf32, #tpu.memory_space<vmem>>)
        tpu.yield
      }) : () -> ()
      %mul3A_47 = arith.constant 512 : i32
      %mul3A_48 = arith.muli %select_n3A_30, %mul3A_47 : i32
      %mul3A_49 = arith.constant 3 : i32
      %mul3A_50 = arith.muli %mul3A_48, %mul3A_49 : i32
      "tpu.region"() ({
        %run_scoped3A = tpu.sem_alloc : memref<!tpu.dma_semaphore, #tpu.memory_space<semaphore_mem>>
        %dma_start3A = tpu.memref_slice %arg2[%mul3A_50] : memref<12288xf32, #tpu.memory_space<hbm>> -> memref<1536xf32, #tpu.memory_space<hbm>>
        %dma_start3A_137 = tpu.memref_slice %arg2[%mul3A_50] : memref<12288xf32, #tpu.memory_space<hbm>> -> memref<1536xf32, #tpu.memory_space<hbm>>
        tpu.enqueue_dma source(%dma_start3A_137 : memref<1536xf32, #tpu.memory_space<hbm>>) target(%arg7 : memref<1536xf32, #tpu.memory_space<vmem>>) target_semaphore(%run_scoped3A : memref<!tpu.dma_semaphore, #tpu.memory_space<semaphore_mem>>)
        %dma_wait3A = tpu.memref_slice %arg2[%mul3A_50] : memref<12288xf32, #tpu.memory_space<hbm>> -> memref<1536xf32, #tpu.memory_space<hbm>>
        %dma_wait3A_138 = tpu.memref_slice %arg2[%mul3A_50] : memref<12288xf32, #tpu.memory_space<hbm>> -> memref<1536xf32, #tpu.memory_space<hbm>>
        tpu.wait_dma2 semaphore(%run_scoped3A : memref<!tpu.dma_semaphore, #tpu.memory_space<semaphore_mem>>) src(%dma_wait3A_138 : memref<1536xf32, #tpu.memory_space<hbm>>) dst(%arg7 : memref<1536xf32, #tpu.memory_space<vmem>>)
        tpu.yield
      }) : () -> ()
      %scan3A = arith.constant 0 : i32
      %scan3A_51 = arith.constant 0 : i32
      %scan3A_52 = arith.constant 8 : i32
      %scan3A_53 = arith.addi %scan3A_51, %scan3A_52 : i32
      %scan3A_54 = arith.constant 1 : i32
      %scan3A_55 = scf.for %scan3A_137 = %scan3A_51 to %scan3A_53 step %scan3A_54 iter_args(%scan3A_138 = %scan3A) -> (i32)  : i32 {
        %mul3A_139 = arith.constant 4 : i32
        %mul3A_140 = arith.muli %scan3A_137, %mul3A_139 : i32
        %add3A_141 = arith.constant 0 : i32
        %add3A_142 = arith.addi %mul3A_140, %add3A_141 : i32
        %mul3A_143 = arith.constant 48 : i32
        %mul3A_144 = arith.muli %add3A_142, %mul3A_143 : i32
        %add3A_145 = arith.addi %mul3A_144, %select_n3A_9 : i32
        %add3A_146 = vector.broadcast %add3A_145 : i32 to vector<16xi32>
        %add3A_147 = arith.addi %mul3A_36, %add3A_146 : vector<16xi32>
        %gather3A = tpu.vector_load_idx %arg7[%add3A_147] : memref<1536xf32, #tpu.memory_space<vmem>>[vector<16xi32>], vector<16xf32>,
        %mul3A_148 = arith.constant 16 : i32
        %mul3A_149 = arith.muli %add3A_142, %mul3A_148 : i32
        %swap3A_150 = arith.index_cast %mul3A_149 : i32 to index
        %swap3A_151 = tpu.vector_load %arg8[%swap3A_150] {strides = array<i32>} : memref<512xf32, #tpu.memory_space<vmem>>, vector<16xf32>,
        tpu.vector_store %arg8[%swap3A_150], %gather3A {strides = array<i32>} : memref<512xf32, #tpu.memory_space<vmem>>, vector<16xf32>,
        %mul3A_152 = arith.constant 4 : i32
        %mul3A_153 = arith.muli %scan3A_137, %mul3A_152 : i32
        %add3A_154 = arith.constant 1 : i32
        %add3A_155 = arith.addi %mul3A_153, %add3A_154 : i32
        %mul3A_156 = arith.constant 48 : i32
        %mul3A_157 = arith.muli %add3A_155, %mul3A_156 : i32
        %add3A_158 = arith.addi %mul3A_157, %select_n3A_9 : i32
        %add3A_159 = vector.broadcast %add3A_158 : i32 to vector<16xi32>
        %add3A_160 = arith.addi %mul3A_36, %add3A_159 : vector<16xi32>
        %gather3A_161 = tpu.vector_load_idx %arg7[%add3A_160] : memref<1536xf32, #tpu.memory_space<vmem>>[vector<16xi32>], vector<16xf32>,
        %mul3A_162 = arith.constant 16 : i32
        %mul3A_163 = arith.muli %add3A_155, %mul3A_162 : i32
        %swap3A_164 = arith.index_cast %mul3A_163 : i32 to index
        %swap3A_165 = tpu.vector_load %arg8[%swap3A_164] {strides = array<i32>} : memref<512xf32, #tpu.memory_space<vmem>>, vector<16xf32>,
        tpu.vector_store %arg8[%swap3A_164], %gather3A_161 {strides = array<i32>} : memref<512xf32, #tpu.memory_space<vmem>>, vector<16xf32>,
        %mul3A_166 = arith.constant 4 : i32
        %mul3A_167 = arith.muli %scan3A_137, %mul3A_166 : i32
        %add3A_168 = arith.constant 2 : i32
        %add3A_169 = arith.addi %mul3A_167, %add3A_168 : i32
        %mul3A_170 = arith.constant 48 : i32
        %mul3A_171 = arith.muli %add3A_169, %mul3A_170 : i32
        %add3A_172 = arith.addi %mul3A_171, %select_n3A_9 : i32
        %add3A_173 = vector.broadcast %add3A_172 : i32 to vector<16xi32>
        %add3A_174 = arith.addi %mul3A_36, %add3A_173 : vector<16xi32>
        %gather3A_175 = tpu.vector_load_idx %arg7[%add3A_174] : memref<1536xf32, #tpu.memory_space<vmem>>[vector<16xi32>], vector<16xf32>,
        %mul3A_176 = arith.constant 16 : i32
        %mul3A_177 = arith.muli %add3A_169, %mul3A_176 : i32
        %swap3A_178 = arith.index_cast %mul3A_177 : i32 to index
        %swap3A_179 = tpu.vector_load %arg8[%swap3A_178] {strides = array<i32>} : memref<512xf32, #tpu.memory_space<vmem>>, vector<16xf32>,
        tpu.vector_store %arg8[%swap3A_178], %gather3A_175 {strides = array<i32>} : memref<512xf32, #tpu.memory_space<vmem>>, vector<16xf32>,
        %mul3A_180 = arith.constant 4 : i32
        %mul3A_181 = arith.muli %scan3A_137, %mul3A_180 : i32
        %add3A_182 = arith.constant 3 : i32
        %add3A_183 = arith.addi %mul3A_181, %add3A_182 : i32
        %mul3A_184 = arith.constant 48 : i32
        %mul3A_185 = arith.muli %add3A_183, %mul3A_184 : i32
        %add3A_186 = arith.addi %mul3A_185, %select_n3A_9 : i32
        %add3A_187 = vector.broadcast %add3A_186 : i32 to vector<16xi32>
        %add3A_188 = arith.addi %mul3A_36, %add3A_187 : vector<16xi32>
        %gather3A_189 = tpu.vector_load_idx %arg7[%add3A_188] : memref<1536xf32, #tpu.memory_space<vmem>>[vector<16xi32>], vector<16xf32>,
        %mul3A_190 = arith.constant 16 : i32
        %mul3A_191 = arith.muli %add3A_183, %mul3A_190 : i32
        %swap3A_192 = arith.index_cast %mul3A_191 : i32 to index
        %swap3A_193 = tpu.vector_load %arg8[%swap3A_192] {strides = array<i32>} : memref<512xf32, #tpu.memory_space<vmem>>, vector<16xf32>,
        tpu.vector_store %arg8[%swap3A_192], %gather3A_189 {strides = array<i32>} : memref<512xf32, #tpu.memory_space<vmem>>, vector<16xf32>,
        %scan3A_194 = arith.constant 0 : i32
        scf.yield %scan3A_194 : i32
      }
      %scan3A_56 = arith.constant 8 : i32
      %broadcast_in_dim3A_57 = arith.constant 0x7F800000 : f32
      %broadcast_in_dim3A_58 = vector.broadcast %broadcast_in_dim3A_57 : f32 to vector<16xf32>
      %broadcast_in_dim3A_59 = arith.constant 0xFF800000 : f32
      %broadcast_in_dim3A_60 = vector.broadcast %broadcast_in_dim3A_59 : f32 to vector<16xf32>
      %scan3A_61 = arith.constant 0 : i32
      %scan3A_62 = arith.constant 128 : i32
      %scan3A_63 = arith.addi %scan3A_61, %scan3A_62 : i32
      %scan3A_64 = arith.constant 1 : i32
      %scan3A_65:2 = scf.for %scan3A_137 = %scan3A_61 to %scan3A_63 step %scan3A_64 iter_args(%scan3A_138 = %broadcast_in_dim3A_58, %scan3A_139 = %broadcast_in_dim3A_60) -> (vector<16xf32>, vector<16xf32>)  : i32 {
        %mul3A_140 = arith.constant 4 : i32
        %mul3A_141 = arith.muli %scan3A_137, %mul3A_140 : i32
        %add3A_142 = arith.constant 0 : i32
        %add3A_143 = arith.addi %mul3A_141, %add3A_142 : i32
        %mul3A_144 = arith.constant 16 : i32
        %mul3A_145 = arith.muli %add3A_143, %mul3A_144 : i32
        %get3A = arith.index_cast %mul3A_145 : i32 to index
        %get3A_146 = tpu.vector_load %arg6[%get3A] {strides = array<i32>} : memref<8192xf32, #tpu.memory_space<vmem>>, vector<16xf32>,
        %min3A = arith.minimumf %scan3A_138, %get3A_146 : vector<16xf32>
        %max3A = arith.maximumf %scan3A_139, %get3A_146 : vector<16xf32>
        %mul3A_147 = arith.constant 4 : i32
        %mul3A_148 = arith.muli %scan3A_137, %mul3A_147 : i32
        %add3A_149 = arith.constant 1 : i32
        %add3A_150 = arith.addi %mul3A_148, %add3A_149 : i32
        %mul3A_151 = arith.constant 16 : i32
        %mul3A_152 = arith.muli %add3A_150, %mul3A_151 : i32
        %get3A_153 = arith.index_cast %mul3A_152 : i32 to index
        %get3A_154 = tpu.vector_load %arg6[%get3A_153] {strides = array<i32>} : memref<8192xf32, #tpu.memory_space<vmem>>, vector<16xf32>,
        %min3A_155 = arith.minimumf %min3A, %get3A_154 : vector<16xf32>
        %max3A_156 = arith.maximumf %max3A, %get3A_154 : vector<16xf32>
        %mul3A_157 = arith.constant 4 : i32
        %mul3A_158 = arith.muli %scan3A_137, %mul3A_157 : i32
        %add3A_159 = arith.constant 2 : i32
        %add3A_160 = arith.addi %mul3A_158, %add3A_159 : i32
        %mul3A_161 = arith.constant 16 : i32
        %mul3A_162 = arith.muli %add3A_160, %mul3A_161 : i32
        %get3A_163 = arith.index_cast %mul3A_162 : i32 to index
        %get3A_164 = tpu.vector_load %arg6[%get3A_163] {strides = array<i32>} : memref<8192xf32, #tpu.memory_space<vmem>>, vector<16xf32>,
        %min3A_165 = arith.minimumf %min3A_155, %get3A_164 : vector<16xf32>
        %max3A_166 = arith.maximumf %max3A_156, %get3A_164 : vector<16xf32>
        %mul3A_167 = arith.constant 4 : i32
        %mul3A_168 = arith.muli %scan3A_137, %mul3A_167 : i32
        %add3A_169 = arith.constant 3 : i32
        %add3A_170 = arith.addi %mul3A_168, %add3A_169 : i32
        %mul3A_171 = arith.constant 16 : i32
        %mul3A_172 = arith.muli %add3A_170, %mul3A_171 : i32
        %get3A_173 = arith.index_cast %mul3A_172 : i32 to index
        %get3A_174 = tpu.vector_load %arg6[%get3A_173] {strides = array<i32>} : memref<8192xf32, #tpu.memory_space<vmem>>, vector<16xf32>,
        %min3A_175 = arith.minimumf %min3A_165, %get3A_174 : vector<16xf32>
        %max3A_176 = arith.maximumf %max3A_166, %get3A_174 : vector<16xf32>
        scf.yield %min3A_175, %max3A_176 : vector<16xf32>, vector<16xf32>
      }
      %scan3A_66 = arith.constant 128 : i32
      %reduce_min3A = arith.constant true
      %reduce_min3A_67 = vector.broadcast %reduce_min3A : i1 to vector<16xi1>
      %reduce_min3A_68 = tpu.scan <min>, %scan3A_65#0 masked %reduce_min3A_67 : vector<16xf32>, vector<16xi1> -> vector<16xf32>
      %reduce_min3A_69 = vector.extract %reduce_min3A_68[15] : f32 from vector<16xf32>
      %broadcast_in_dim3A_70 = vector.broadcast %reduce_min3A_69 : f32 to vector<16xf32>
      %reduce_max3A = arith.constant true
      %reduce_max3A_71 = vector.broadcast %reduce_max3A : i1 to vector<16xi1>
      %reduce_max3A_72 = tpu.scan <max>, %scan3A_65#1 masked %reduce_max3A_71 : vector<16xf32>, vector<16xi1> -> vector<16xf32>
      %reduce_max3A_73 = vector.extract %reduce_max3A_72[15] : f32 from vector<16xf32>
      %broadcast_in_dim3A_74 = vector.broadcast %reduce_max3A_73 : f32 to vector<16xf32>
      %sub3A_75 = arith.subf %broadcast_in_dim3A_74, %broadcast_in_dim3A_70 : vector<16xf32>
      %gt3A = arith.constant 0.000000e+00 : f32
      %gt3A_76 = vector.broadcast %gt3A : f32 to vector<16xf32>
      %gt3A_77 = arith.cmpf ogt, %sub3A_75, %gt3A_76 : vector<16xf32>
      %div3A_78 = arith.constant 2.047000e+03 : f32
      %div3A_79 = vector.broadcast %div3A_78 : f32 to vector<16xf32>
      %div3A_80 = arith.divf %div3A_79, %sub3A_75 : vector<16xf32>
      %jit3A_81 = arith.constant 0.000000e+00 : f32
      %broadcast_in_dim3A_82 = vector.broadcast %jit3A_81 : f32 to vector<16xf32>
      %select_n3A_83 = arith.select %gt3A_77, %div3A_80, %broadcast_in_dim3A_82 : vector<16xi1>, vector<16xf32>
      %scan3A_84 = arith.constant 0 : i32
      %scan3A_85 = arith.constant 0 : i32
      %scan3A_86 = arith.constant 32 : i32
      %scan3A_87 = arith.addi %scan3A_85, %scan3A_86 : i32
      %scan3A_88 = arith.constant 1 : i32
      %scan3A_89 = scf.for %scan3A_137 = %scan3A_85 to %scan3A_87 step %scan3A_88 iter_args(%scan3A_138 = %scan3A_84) -> (i32)  : i32 {
        %broadcast_in_dim3A_139 = arith.constant 0 : i32
        %broadcast_in_dim3A_140 = vector.broadcast %broadcast_in_dim3A_139 : i32 to vector<16xi32>
        %mul3A_141 = arith.constant 4 : i32
        %mul3A_142 = arith.muli %scan3A_137, %mul3A_141 : i32
        %add3A_143 = arith.constant 0 : i32
        %add3A_144 = arith.addi %mul3A_142, %add3A_143 : i32
        %mul3A_145 = arith.constant 16 : i32
        %mul3A_146 = arith.muli %add3A_144, %mul3A_145 : i32
        %swap3A_147 = arith.index_cast %mul3A_146 : i32 to index
        %swap3A_148 = tpu.vector_load %arg12[%swap3A_147] {strides = array<i32>} : memref<2048xi32, #tpu.memory_space<vmem>>, vector<16xi32>,
        tpu.vector_store %arg12[%swap3A_147], %broadcast_in_dim3A_140 {strides = array<i32>} : memref<2048xi32, #tpu.memory_space<vmem>>, vector<16xi32>,
        %broadcast_in_dim3A_149 = arith.constant 0 : i32
        %broadcast_in_dim3A_150 = vector.broadcast %broadcast_in_dim3A_149 : i32 to vector<16xi32>
        %mul3A_151 = arith.constant 4 : i32
        %mul3A_152 = arith.muli %scan3A_137, %mul3A_151 : i32
        %add3A_153 = arith.constant 1 : i32
        %add3A_154 = arith.addi %mul3A_152, %add3A_153 : i32
        %mul3A_155 = arith.constant 16 : i32
        %mul3A_156 = arith.muli %add3A_154, %mul3A_155 : i32
        %swap3A_157 = arith.index_cast %mul3A_156 : i32 to index
        %swap3A_158 = tpu.vector_load %arg12[%swap3A_157] {strides = array<i32>} : memref<2048xi32, #tpu.memory_space<vmem>>, vector<16xi32>,
        tpu.vector_store %arg12[%swap3A_157], %broadcast_in_dim3A_150 {strides = array<i32>} : memref<2048xi32, #tpu.memory_space<vmem>>, vector<16xi32>,
        %broadcast_in_dim3A_159 = arith.constant 0 : i32
        %broadcast_in_dim3A_160 = vector.broadcast %broadcast_in_dim3A_159 : i32 to vector<16xi32>
        %mul3A_161 = arith.constant 4 : i32
        %mul3A_162 = arith.muli %scan3A_137, %mul3A_161 : i32
        %add3A_163 = arith.constant 2 : i32
        %add3A_164 = arith.addi %mul3A_162, %add3A_163 : i32
        %mul3A_165 = arith.constant 16 : i32
        %mul3A_166 = arith.muli %add3A_164, %mul3A_165 : i32
        %swap3A_167 = arith.index_cast %mul3A_166 : i32 to index
        %swap3A_168 = tpu.vector_load %arg12[%swap3A_167] {strides = array<i32>} : memref<2048xi32, #tpu.memory_space<vmem>>, vector<16xi32>,
        tpu.vector_store %arg12[%swap3A_167], %broadcast_in_dim3A_160 {strides = array<i32>} : memref<2048xi32, #tpu.memory_space<vmem>>, vector<16xi32>,
        %broadcast_in_dim3A_169 = arith.constant 0 : i32
        %broadcast_in_dim3A_170 = vector.broadcast %broadcast_in_dim3A_169 : i32 to vector<16xi32>
        %mul3A_171 = arith.constant 4 : i32
        %mul3A_172 = arith.muli %scan3A_137, %mul3A_171 : i32
        %add3A_173 = arith.constant 3 : i32
        %add3A_174 = arith.addi %mul3A_172, %add3A_173 : i32
        %mul3A_175 = arith.constant 16 : i32
        %mul3A_176 = arith.muli %add3A_174, %mul3A_175 : i32
        %swap3A_177 = arith.index_cast %mul3A_176 : i32 to index
        %swap3A_178 = tpu.vector_load %arg12[%swap3A_177] {strides = array<i32>} : memref<2048xi32, #tpu.memory_space<vmem>>, vector<16xi32>,
        tpu.vector_store %arg12[%swap3A_177], %broadcast_in_dim3A_170 {strides = array<i32>} : memref<2048xi32, #tpu.memory_space<vmem>>, vector<16xi32>,
        %scan3A_179 = arith.constant 0 : i32
        scf.yield %scan3A_179 : i32
      }
      %scan3A_90 = arith.constant 32 : i32
      %scan3A_91 = arith.constant 0 : i32
      %scan3A_92 = arith.constant 0 : i32
      %scan3A_93 = arith.constant 64 : i32
      %scan3A_94 = arith.addi %scan3A_92, %scan3A_93 : i32
      %scan3A_95 = arith.constant 1 : i32
      %scan3A_96 = scf.for %scan3A_137 = %scan3A_92 to %scan3A_94 step %scan3A_95 iter_args(%scan3A_138 = %scan3A_91) -> (i32)  : i32 {
        %mul3A_139 = arith.constant 8 : i32
        %mul3A_140 = arith.muli %scan3A_137, %mul3A_139 : i32
        %add3A_141 = arith.constant 0 : i32
        %add3A_142 = arith.addi %mul3A_140, %add3A_141 : i32
        %mul3A_143 = arith.constant 16 : i32
        %mul3A_144 = arith.muli %add3A_142, %mul3A_143 : i32
        %get3A = arith.index_cast %mul3A_144 : i32 to index
        %get3A_145 = tpu.vector_load %arg6[%get3A] {strides = array<i32>} : memref<8192xf32, #tpu.memory_space<vmem>>, vector<16xf32>,
        %sub3A_146 = arith.subf %get3A_145, %broadcast_in_dim3A_70 : vector<16xf32>
        %mul3A_147 = arith.mulf %sub3A_146, %select_n3A_83 : vector<16xf32>
        %jit3A_148 = arith.constant 0.000000e+00 : f32
        %jit3A_149 = arith.constant 2.047000e+03 : f32
        %max3A = vector.broadcast %jit3A_148 : f32 to vector<16xf32>
        %max3A_150 = arith.maximumf %max3A, %mul3A_147 : vector<16xf32>
        %min3A = vector.broadcast %jit3A_149 : f32 to vector<16xf32>
        %min3A_151 = arith.minimumf %min3A, %max3A_150 : vector<16xf32>
        %convert_element_type3A_152 = arith.fptosi %min3A_151 : vector<16xf32> to vector<16xi32>
        %mul3A_153 = arith.constant 16 : i32
        %mul3A_154 = arith.muli %add3A_142, %mul3A_153 : i32
        %swap3A_155 = arith.index_cast %mul3A_154 : i32 to index
        %swap3A_156 = tpu.vector_load %arg9[%swap3A_155] {strides = array<i32>} : memref<8192xi32, #tpu.memory_space<vmem>>, vector<16xi32>,
        tpu.vector_store %arg9[%swap3A_155], %convert_element_type3A_152 {strides = array<i32>} : memref<8192xi32, #tpu.memory_space<vmem>>, vector<16xi32>,
        %broadcast_in_dim3A_157 = arith.constant 1 : i32
        %broadcast_in_dim3A_158 = vector.broadcast %broadcast_in_dim3A_157 : i32 to vector<16xi32>
        tpu.vector_store_idx %arg12[%convert_element_type3A_152], %broadcast_in_dim3A_158 {add = true} : memref<2048xi32, #tpu.memory_space<vmem>>[vector<16xi32>], vector<16xi32>,
        %mul3A_159 = arith.constant 8 : i32
        %mul3A_160 = arith.muli %scan3A_137, %mul3A_159 : i32
        %add3A_161 = arith.constant 1 : i32
        %add3A_162 = arith.addi %mul3A_160, %add3A_161 : i32
        %mul3A_163 = arith.constant 16 : i32
        %mul3A_164 = arith.muli %add3A_162, %mul3A_163 : i32
        %get3A_165 = arith.index_cast %mul3A_164 : i32 to index
        %get3A_166 = tpu.vector_load %arg6[%get3A_165] {strides = array<i32>} : memref<8192xf32, #tpu.memory_space<vmem>>, vector<16xf32>,
        %sub3A_167 = arith.subf %get3A_166, %broadcast_in_dim3A_70 : vector<16xf32>
        %mul3A_168 = arith.mulf %sub3A_167, %select_n3A_83 : vector<16xf32>
        %jit3A_169 = arith.constant 0.000000e+00 : f32
        %jit3A_170 = arith.constant 2.047000e+03 : f32
        %max3A_171 = vector.broadcast %jit3A_169 : f32 to vector<16xf32>
        %max3A_172 = arith.maximumf %max3A_171, %mul3A_168 : vector<16xf32>
        %min3A_173 = vector.broadcast %jit3A_170 : f32 to vector<16xf32>
        %min3A_174 = arith.minimumf %min3A_173, %max3A_172 : vector<16xf32>
        %convert_element_type3A_175 = arith.fptosi %min3A_174 : vector<16xf32> to vector<16xi32>
        %mul3A_176 = arith.constant 16 : i32
        %mul3A_177 = arith.muli %add3A_162, %mul3A_176 : i32
        %swap3A_178 = arith.index_cast %mul3A_177 : i32 to index
        %swap3A_179 = tpu.vector_load %arg9[%swap3A_178] {strides = array<i32>} : memref<8192xi32, #tpu.memory_space<vmem>>, vector<16xi32>,
        tpu.vector_store %arg9[%swap3A_178], %convert_element_type3A_175 {strides = array<i32>} : memref<8192xi32, #tpu.memory_space<vmem>>, vector<16xi32>,
        %broadcast_in_dim3A_180 = arith.constant 1 : i32
        %broadcast_in_dim3A_181 = vector.broadcast %broadcast_in_dim3A_180 : i32 to vector<16xi32>
        tpu.vector_store_idx %arg12[%convert_element_type3A_175], %broadcast_in_dim3A_181 {add = true} : memref<2048xi32, #tpu.memory_space<vmem>>[vector<16xi32>], vector<16xi32>,
        %mul3A_182 = arith.constant 8 : i32
        %mul3A_183 = arith.muli %scan3A_137, %mul3A_182 : i32
        %add3A_184 = arith.constant 2 : i32
        %add3A_185 = arith.addi %mul3A_183, %add3A_184 : i32
        %mul3A_186 = arith.constant 16 : i32
        %mul3A_187 = arith.muli %add3A_185, %mul3A_186 : i32
        %get3A_188 = arith.index_cast %mul3A_187 : i32 to index
        %get3A_189 = tpu.vector_load %arg6[%get3A_188] {strides = array<i32>} : memref<8192xf32, #tpu.memory_space<vmem>>, vector<16xf32>,
        %sub3A_190 = arith.subf %get3A_189, %broadcast_in_dim3A_70 : vector<16xf32>
        %mul3A_191 = arith.mulf %sub3A_190, %select_n3A_83 : vector<16xf32>
        %jit3A_192 = arith.constant 0.000000e+00 : f32
        %jit3A_193 = arith.constant 2.047000e+03 : f32
        %max3A_194 = vector.broadcast %jit3A_192 : f32 to vector<16xf32>
        %max3A_195 = arith.maximumf %max3A_194, %mul3A_191 : vector<16xf32>
        %min3A_196 = vector.broadcast %jit3A_193 : f32 to vector<16xf32>
        %min3A_197 = arith.minimumf %min3A_196, %max3A_195 : vector<16xf32>
        %convert_element_type3A_198 = arith.fptosi %min3A_197 : vector<16xf32> to vector<16xi32>
        %mul3A_199 = arith.constant 16 : i32
        %mul3A_200 = arith.muli %add3A_185, %mul3A_199 : i32
        %swap3A_201 = arith.index_cast %mul3A_200 : i32 to index
        %swap3A_202 = tpu.vector_load %arg9[%swap3A_201] {strides = array<i32>} : memref<8192xi32, #tpu.memory_space<vmem>>, vector<16xi32>,
        tpu.vector_store %arg9[%swap3A_201], %convert_element_type3A_198 {strides = array<i32>} : memref<8192xi32, #tpu.memory_space<vmem>>, vector<16xi32>,
        %broadcast_in_dim3A_203 = arith.constant 1 : i32
        %broadcast_in_dim3A_204 = vector.broadcast %broadcast_in_dim3A_203 : i32 to vector<16xi32>
        tpu.vector_store_idx %arg12[%convert_element_type3A_198], %broadcast_in_dim3A_204 {add = true} : memref<2048xi32, #tpu.memory_space<vmem>>[vector<16xi32>], vector<16xi32>,
        %mul3A_205 = arith.constant 8 : i32
        %mul3A_206 = arith.muli %scan3A_137, %mul3A_205 : i32
        %add3A_207 = arith.constant 3 : i32
        %add3A_208 = arith.addi %mul3A_206, %add3A_207 : i32
        %mul3A_209 = arith.constant 16 : i32
        %mul3A_210 = arith.muli %add3A_208, %mul3A_209 : i32
        %get3A_211 = arith.index_cast %mul3A_210 : i32 to index
        %get3A_212 = tpu.vector_load %arg6[%get3A_211] {strides = array<i32>} : memref<8192xf32, #tpu.memory_space<vmem>>, vector<16xf32>,
        %sub3A_213 = arith.subf %get3A_212, %broadcast_in_dim3A_70 : vector<16xf32>
        %mul3A_214 = arith.mulf %sub3A_213, %select_n3A_83 : vector<16xf32>
        %jit3A_215 = arith.constant 0.000000e+00 : f32
        %jit3A_216 = arith.constant 2.047000e+03 : f32
        %max3A_217 = vector.broadcast %jit3A_215 : f32 to vector<16xf32>
        %max3A_218 = arith.maximumf %max3A_217, %mul3A_214 : vector<16xf32>
        %min3A_219 = vector.broadcast %jit3A_216 : f32 to vector<16xf32>
        %min3A_220 = arith.minimumf %min3A_219, %max3A_218 : vector<16xf32>
        %convert_element_type3A_221 = arith.fptosi %min3A_220 : vector<16xf32> to vector<16xi32>
        %mul3A_222 = arith.constant 16 : i32
        %mul3A_223 = arith.muli %add3A_208, %mul3A_222 : i32
        %swap3A_224 = arith.index_cast %mul3A_223 : i32 to index
        %swap3A_225 = tpu.vector_load %arg9[%swap3A_224] {strides = array<i32>} : memref<8192xi32, #tpu.memory_space<vmem>>, vector<16xi32>,
        tpu.vector_store %arg9[%swap3A_224], %convert_element_type3A_221 {strides = array<i32>} : memref<8192xi32, #tpu.memory_space<vmem>>, vector<16xi32>,
        %broadcast_in_dim3A_226 = arith.constant 1 : i32
        %broadcast_in_dim3A_227 = vector.broadcast %broadcast_in_dim3A_226 : i32 to vector<16xi32>
        tpu.vector_store_idx %arg12[%convert_element_type3A_221], %broadcast_in_dim3A_227 {add = true} : memref<2048xi32, #tpu.memory_space<vmem>>[vector<16xi32>], vector<16xi32>,
        %mul3A_228 = arith.constant 8 : i32
        %mul3A_229 = arith.muli %scan3A_137, %mul3A_228 : i32
        %add3A_230 = arith.constant 4 : i32
        %add3A_231 = arith.addi %mul3A_229, %add3A_230 : i32
        %mul3A_232 = arith.constant 16 : i32
        %mul3A_233 = arith.muli %add3A_231, %mul3A_232 : i32
        %get3A_234 = arith.index_cast %mul3A_233 : i32 to index
        %get3A_235 = tpu.vector_load %arg6[%get3A_234] {strides = array<i32>} : memref<8192xf32, #tpu.memory_space<vmem>>, vector<16xf32>,
        %sub3A_236 = arith.subf %get3A_235, %broadcast_in_dim3A_70 : vector<16xf32>
        %mul3A_237 = arith.mulf %sub3A_236, %select_n3A_83 : vector<16xf32>
        %jit3A_238 = arith.constant 0.000000e+00 : f32
        %jit3A_239 = arith.constant 2.047000e+03 : f32
        %max3A_240 = vector.broadcast %jit3A_238 : f32 to vector<16xf32>
        %max3A_241 = arith.maximumf %max3A_240, %mul3A_237 : vector<16xf32>
        %min3A_242 = vector.broadcast %jit3A_239 : f32 to vector<16xf32>
        %min3A_243 = arith.minimumf %min3A_242, %max3A_241 : vector<16xf32>
        %convert_element_type3A_244 = arith.fptosi %min3A_243 : vector<16xf32> to vector<16xi32>
        %mul3A_245 = arith.constant 16 : i32
        %mul3A_246 = arith.muli %add3A_231, %mul3A_245 : i32
        %swap3A_247 = arith.index_cast %mul3A_246 : i32 to index
        %swap3A_248 = tpu.vector_load %arg9[%swap3A_247] {strides = array<i32>} : memref<8192xi32, #tpu.memory_space<vmem>>, vector<16xi32>,
        tpu.vector_store %arg9[%swap3A_247], %convert_element_type3A_244 {strides = array<i32>} : memref<8192xi32, #tpu.memory_space<vmem>>, vector<16xi32>,
        %broadcast_in_dim3A_249 = arith.constant 1 : i32
        %broadcast_in_dim3A_250 = vector.broadcast %broadcast_in_dim3A_249 : i32 to vector<16xi32>
        tpu.vector_store_idx %arg12[%convert_element_type3A_244], %broadcast_in_dim3A_250 {add = true} : memref<2048xi32, #tpu.memory_space<vmem>>[vector<16xi32>], vector<16xi32>,
        %mul3A_251 = arith.constant 8 : i32
        %mul3A_252 = arith.muli %scan3A_137, %mul3A_251 : i32
        %add3A_253 = arith.constant 5 : i32
        %add3A_254 = arith.addi %mul3A_252, %add3A_253 : i32
        %mul3A_255 = arith.constant 16 : i32
        %mul3A_256 = arith.muli %add3A_254, %mul3A_255 : i32
        %get3A_257 = arith.index_cast %mul3A_256 : i32 to index
        %get3A_258 = tpu.vector_load %arg6[%get3A_257] {strides = array<i32>} : memref<8192xf32, #tpu.memory_space<vmem>>, vector<16xf32>,
        %sub3A_259 = arith.subf %get3A_258, %broadcast_in_dim3A_70 : vector<16xf32>
        %mul3A_260 = arith.mulf %sub3A_259, %select_n3A_83 : vector<16xf32>
        %jit3A_261 = arith.constant 0.000000e+00 : f32
        %jit3A_262 = arith.constant 2.047000e+03 : f32
        %max3A_263 = vector.broadcast %jit3A_261 : f32 to vector<16xf32>
        %max3A_264 = arith.maximumf %max3A_263, %mul3A_260 : vector<16xf32>
        %min3A_265 = vector.broadcast %jit3A_262 : f32 to vector<16xf32>
        %min3A_266 = arith.minimumf %min3A_265, %max3A_264 : vector<16xf32>
        %convert_element_type3A_267 = arith.fptosi %min3A_266 : vector<16xf32> to vector<16xi32>
        %mul3A_268 = arith.constant 16 : i32
        %mul3A_269 = arith.muli %add3A_254, %mul3A_268 : i32
        %swap3A_270 = arith.index_cast %mul3A_269 : i32 to index
        %swap3A_271 = tpu.vector_load %arg9[%swap3A_270] {strides = array<i32>} : memref<8192xi32, #tpu.memory_space<vmem>>, vector<16xi32>,
        tpu.vector_store %arg9[%swap3A_270], %convert_element_type3A_267 {strides = array<i32>} : memref<8192xi32, #tpu.memory_space<vmem>>, vector<16xi32>,
        %broadcast_in_dim3A_272 = arith.constant 1 : i32
        %broadcast_in_dim3A_273 = vector.broadcast %broadcast_in_dim3A_272 : i32 to vector<16xi32>
        tpu.vector_store_idx %arg12[%convert_element_type3A_267], %broadcast_in_dim3A_273 {add = true} : memref<2048xi32, #tpu.memory_space<vmem>>[vector<16xi32>], vector<16xi32>,
        %mul3A_274 = arith.constant 8 : i32
        %mul3A_275 = arith.muli %scan3A_137, %mul3A_274 : i32
        %add3A_276 = arith.constant 6 : i32
        %add3A_277 = arith.addi %mul3A_275, %add3A_276 : i32
        %mul3A_278 = arith.constant 16 : i32
        %mul3A_279 = arith.muli %add3A_277, %mul3A_278 : i32
        %get3A_280 = arith.index_cast %mul3A_279 : i32 to index
        %get3A_281 = tpu.vector_load %arg6[%get3A_280] {strides = array<i32>} : memref<8192xf32, #tpu.memory_space<vmem>>, vector<16xf32>,
        %sub3A_282 = arith.subf %get3A_281, %broadcast_in_dim3A_70 : vector<16xf32>
        %mul3A_283 = arith.mulf %sub3A_282, %select_n3A_83 : vector<16xf32>
        %jit3A_284 = arith.constant 0.000000e+00 : f32
        %jit3A_285 = arith.constant 2.047000e+03 : f32
        %max3A_286 = vector.broadcast %jit3A_284 : f32 to vector<16xf32>
        %max3A_287 = arith.maximumf %max3A_286, %mul3A_283 : vector<16xf32>
        %min3A_288 = vector.broadcast %jit3A_285 : f32 to vector<16xf32>
        %min3A_289 = arith.minimumf %min3A_288, %max3A_287 : vector<16xf32>
        %convert_element_type3A_290 = arith.fptosi %min3A_289 : vector<16xf32> to vector<16xi32>
        %mul3A_291 = arith.constant 16 : i32
        %mul3A_292 = arith.muli %add3A_277, %mul3A_291 : i32
        %swap3A_293 = arith.index_cast %mul3A_292 : i32 to index
        %swap3A_294 = tpu.vector_load %arg9[%swap3A_293] {strides = array<i32>} : memref<8192xi32, #tpu.memory_space<vmem>>, vector<16xi32>,
        tpu.vector_store %arg9[%swap3A_293], %convert_element_type3A_290 {strides = array<i32>} : memref<8192xi32, #tpu.memory_space<vmem>>, vector<16xi32>,
        %broadcast_in_dim3A_295 = arith.constant 1 : i32
        %broadcast_in_dim3A_296 = vector.broadcast %broadcast_in_dim3A_295 : i32 to vector<16xi32>
        tpu.vector_store_idx %arg12[%convert_element_type3A_290], %broadcast_in_dim3A_296 {add = true} : memref<2048xi32, #tpu.memory_space<vmem>>[vector<16xi32>], vector<16xi32>,
        %mul3A_297 = arith.constant 8 : i32
        %mul3A_298 = arith.muli %scan3A_137, %mul3A_297 : i32
        %add3A_299 = arith.constant 7 : i32
        %add3A_300 = arith.addi %mul3A_298, %add3A_299 : i32
        %mul3A_301 = arith.constant 16 : i32
        %mul3A_302 = arith.muli %add3A_300, %mul3A_301 : i32
        %get3A_303 = arith.index_cast %mul3A_302 : i32 to index
        %get3A_304 = tpu.vector_load %arg6[%get3A_303] {strides = array<i32>} : memref<8192xf32, #tpu.memory_space<vmem>>, vector<16xf32>,
        %sub3A_305 = arith.subf %get3A_304, %broadcast_in_dim3A_70 : vector<16xf32>
        %mul3A_306 = arith.mulf %sub3A_305, %select_n3A_83 : vector<16xf32>
        %jit3A_307 = arith.constant 0.000000e+00 : f32
        %jit3A_308 = arith.constant 2.047000e+03 : f32
        %max3A_309 = vector.broadcast %jit3A_307 : f32 to vector<16xf32>
        %max3A_310 = arith.maximumf %max3A_309, %mul3A_306 : vector<16xf32>
        %min3A_311 = vector.broadcast %jit3A_308 : f32 to vector<16xf32>
        %min3A_312 = arith.minimumf %min3A_311, %max3A_310 : vector<16xf32>
        %convert_element_type3A_313 = arith.fptosi %min3A_312 : vector<16xf32> to vector<16xi32>
        %mul3A_314 = arith.constant 16 : i32
        %mul3A_315 = arith.muli %add3A_300, %mul3A_314 : i32
        %swap3A_316 = arith.index_cast %mul3A_315 : i32 to index
        %swap3A_317 = tpu.vector_load %arg9[%swap3A_316] {strides = array<i32>} : memref<8192xi32, #tpu.memory_space<vmem>>, vector<16xi32>,
        tpu.vector_store %arg9[%swap3A_316], %convert_element_type3A_313 {strides = array<i32>} : memref<8192xi32, #tpu.memory_space<vmem>>, vector<16xi32>,
        %broadcast_in_dim3A_318 = arith.constant 1 : i32
        %broadcast_in_dim3A_319 = vector.broadcast %broadcast_in_dim3A_318 : i32 to vector<16xi32>
        tpu.vector_store_idx %arg12[%convert_element_type3A_313], %broadcast_in_dim3A_319 {add = true} : memref<2048xi32, #tpu.memory_space<vmem>>[vector<16xi32>], vector<16xi32>,
        %scan3A_320 = arith.constant 0 : i32
        scf.yield %scan3A_320 : i32
      }
      %scan3A_97 = arith.constant 64 : i32
      %broadcast_in_dim3A_98 = arith.constant 0 : i32
      %broadcast_in_dim3A_99 = vector.broadcast %broadcast_in_dim3A_98 : i32 to vector<16xi32>
      %scan3A_100 = arith.constant 0 : i32
      %scan3A_101 = arith.constant 64 : i32
      %scan3A_102 = arith.addi %scan3A_100, %scan3A_101 : i32
      %scan3A_103 = arith.constant 1 : i32
      %scan3A_104 = scf.for %scan3A_137 = %scan3A_100 to %scan3A_102 step %scan3A_103 iter_args(%scan3A_138 = %broadcast_in_dim3A_99) -> (vector<16xi32>)  : i32 {
        %mul3A_139 = arith.constant 2 : i32
        %mul3A_140 = arith.muli %scan3A_137, %mul3A_139 : i32
        %add3A_141 = arith.constant 0 : i32
        %add3A_142 = arith.addi %mul3A_140, %add3A_141 : i32
        %mul3A_143 = arith.constant 16 : i32
        %mul3A_144 = arith.muli %add3A_142, %mul3A_143 : i32
        %get3A = arith.index_cast %mul3A_144 : i32 to index
        %get3A_145 = tpu.vector_load %arg12[%get3A] {strides = array<i32>} : memref<2048xi32, #tpu.memory_space<vmem>>, vector<16xi32>,
        %broadcast_in_dim3A_146 = arith.constant true
        %broadcast_in_dim3A_147 = vector.broadcast %broadcast_in_dim3A_146 : i1 to vector<16xi1>
        %masked_cumsum3A = tpu.scan <sum>, %get3A_145 masked %broadcast_in_dim3A_147 : vector<16xi32>, vector<16xi1> -> vector<16xi32>
        %sub3A_148 = arith.subi %masked_cumsum3A, %get3A_145 : vector<16xi32>
        %add3A_149 = arith.addi %sub3A_148, %scan3A_138 : vector<16xi32>
        %mul3A_150 = arith.constant 16 : i32
        %mul3A_151 = arith.muli %add3A_142, %mul3A_150 : i32
        %swap3A_152 = arith.index_cast %mul3A_151 : i32 to index
        %swap3A_153 = tpu.vector_load %arg13[%swap3A_152] {strides = array<i32>} : memref<2064xi32, #tpu.memory_space<vmem>>, vector<16xi32>,
        tpu.vector_store %arg13[%swap3A_152], %add3A_149 {strides = array<i32>} : memref<2064xi32, #tpu.memory_space<vmem>>, vector<16xi32>,
        %mul3A_154 = arith.constant 16 : i32
        %mul3A_155 = arith.muli %add3A_142, %mul3A_154 : i32
        %swap3A_156 = arith.index_cast %mul3A_155 : i32 to index
        %swap3A_157 = tpu.vector_load %arg14[%swap3A_156] {strides = array<i32>} : memref<2048xi32, #tpu.memory_space<vmem>>, vector<16xi32>,
        tpu.vector_store %arg14[%swap3A_156], %add3A_149 {strides = array<i32>} : memref<2048xi32, #tpu.memory_space<vmem>>, vector<16xi32>,
        %lt3A_158 = arith.constant 0 : i32
        %lt3A_159 = vector.broadcast %lt3A_158 : i32 to vector<16xi32>
        %lt3A_160 = arith.cmpi slt, %broadcast_in_dim3A_31, %lt3A_159 : vector<16xi32>
        %add3A_161 = arith.constant 16 : i32
        %add3A_162 = vector.broadcast %add3A_161 : i32 to vector<16xi32>
        %add3A_163 = arith.addi %broadcast_in_dim3A_31, %add3A_162 : vector<16xi32>
        %select_n3A_164 = arith.select %lt3A_160, %add3A_163, %broadcast_in_dim3A_31 : vector<16xi1>, vector<16xi32>
        %broadcast_in_dim3A_165 = vector.shape_cast %select_n3A_164 : vector<16xi32> to vector<16x1xi32>
        %gather3A = vector.shape_cast %broadcast_in_dim3A_165 : vector<16x1xi32> to vector<16xi32>
        %gather3A_166 = tpu.dynamic_gather %masked_cumsum3A[%gather3A] in [0] : vector<16xi32>, vector<16xi32> -> vector<16xi32>
        %add3A_167 = arith.addi %scan3A_138, %gather3A_166 : vector<16xi32>
        %mul3A_168 = arith.constant 2 : i32
        %mul3A_169 = arith.muli %scan3A_137, %mul3A_168 : i32
        %add3A_170 = arith.constant 1 : i32
        %add3A_171 = arith.addi %mul3A_169, %add3A_170 : i32
        %mul3A_172 = arith.constant 16 : i32
        %mul3A_173 = arith.muli %add3A_171, %mul3A_172 : i32
        %get3A_174 = arith.index_cast %mul3A_173 : i32 to index
        %get3A_175 = tpu.vector_load %arg12[%get3A_174] {strides = array<i32>} : memref<2048xi32, #tpu.memory_space<vmem>>, vector<16xi32>,
        %broadcast_in_dim3A_176 = arith.constant true
        %broadcast_in_dim3A_177 = vector.broadcast %broadcast_in_dim3A_176 : i1 to vector<16xi1>
        %masked_cumsum3A_178 = tpu.scan <sum>, %get3A_175 masked %broadcast_in_dim3A_177 : vector<16xi32>, vector<16xi1> -> vector<16xi32>
        %sub3A_179 = arith.subi %masked_cumsum3A_178, %get3A_175 : vector<16xi32>
        %add3A_180 = arith.addi %sub3A_179, %add3A_167 : vector<16xi32>
        %mul3A_181 = arith.constant 16 : i32
        %mul3A_182 = arith.muli %add3A_171, %mul3A_181 : i32
        %swap3A_183 = arith.index_cast %mul3A_182 : i32 to index
        %swap3A_184 = tpu.vector_load %arg13[%swap3A_183] {strides = array<i32>} : memref<2064xi32, #tpu.memory_space<vmem>>, vector<16xi32>,
        tpu.vector_store %arg13[%swap3A_183], %add3A_180 {strides = array<i32>} : memref<2064xi32, #tpu.memory_space<vmem>>, vector<16xi32>,
        %mul3A_185 = arith.constant 16 : i32
        %mul3A_186 = arith.muli %add3A_171, %mul3A_185 : i32
        %swap3A_187 = arith.index_cast %mul3A_186 : i32 to index
        %swap3A_188 = tpu.vector_load %arg14[%swap3A_187] {strides = array<i32>} : memref<2048xi32, #tpu.memory_space<vmem>>, vector<16xi32>,
        tpu.vector_store %arg14[%swap3A_187], %add3A_180 {strides = array<i32>} : memref<2048xi32, #tpu.memory_space<vmem>>, vector<16xi32>,
        %lt3A_189 = arith.constant 0 : i32
        %lt3A_190 = vector.broadcast %lt3A_189 : i32 to vector<16xi32>
        %lt3A_191 = arith.cmpi slt, %broadcast_in_dim3A_31, %lt3A_190 : vector<16xi32>
        %add3A_192 = arith.constant 16 : i32
        %add3A_193 = vector.broadcast %add3A_192 : i32 to vector<16xi32>
        %add3A_194 = arith.addi %broadcast_in_dim3A_31, %add3A_193 : vector<16xi32>
        %select_n3A_195 = arith.select %lt3A_191, %add3A_194, %broadcast_in_dim3A_31 : vector<16xi1>, vector<16xi32>
        %broadcast_in_dim3A_196 = vector.shape_cast %select_n3A_195 : vector<16xi32> to vector<16x1xi32>
        %gather3A_197 = vector.shape_cast %broadcast_in_dim3A_196 : vector<16x1xi32> to vector<16xi32>
        %gather3A_198 = tpu.dynamic_gather %masked_cumsum3A_178[%gather3A_197] in [0] : vector<16xi32>, vector<16xi32> -> vector<16xi32>
        %add3A_199 = arith.addi %add3A_167, %gather3A_198 : vector<16xi32>
        scf.yield %add3A_199 : vector<16xi32>
      }
      %scan3A_105 = arith.constant 64 : i32
      %swap3A = arith.constant 2048 : index
      %swap3A_106 = tpu.vector_load %arg13[%swap3A] {strides = array<i32>} : memref<2064xi32, #tpu.memory_space<vmem>>, vector<16xi32>,
      tpu.vector_store %arg13[%swap3A], %scan3A_104 {strides = array<i32>} : memref<2064xi32, #tpu.memory_space<vmem>>, vector<16xi32>,
      %scan3A_107 = arith.constant 0 : i32
      %scan3A_108 = arith.constant 0 : i32
      %scan3A_109 = arith.constant 128 : i32
      %scan3A_110 = arith.addi %scan3A_108, %scan3A_109 : i32
      %scan3A_111 = arith.constant 1 : i32
      %scan3A_112 = scf.for %scan3A_137 = %scan3A_108 to %scan3A_110 step %scan3A_111 iter_args(%scan3A_138 = %scan3A_107) -> (i32)  : i32 {
        %mul3A_139 = arith.constant 4 : i32
        %mul3A_140 = arith.muli %scan3A_137, %mul3A_139 : i32
        %add3A_141 = arith.constant 0 : i32
        %add3A_142 = arith.addi %mul3A_140, %add3A_141 : i32
        %mul3A_143 = arith.constant 16 : i32
        %mul3A_144 = arith.muli %add3A_142, %mul3A_143 : i32
        %get3A = arith.index_cast %mul3A_144 : i32 to index
        %get3A_145 = tpu.vector_load %arg9[%get3A] {strides = array<i32>} : memref<8192xi32, #tpu.memory_space<vmem>>, vector<16xi32>,
        %mul3A_146 = arith.constant 16 : i32
        %mul3A_147 = arith.muli %add3A_142, %mul3A_146 : i32
        %get3A_148 = arith.index_cast %mul3A_147 : i32 to index
        %get3A_149 = tpu.vector_load %arg6[%get3A_148] {strides = array<i32>} : memref<8192xf32, #tpu.memory_space<vmem>>, vector<16xf32>,
        %broadcast_in_dim3A_150 = arith.constant true
        %broadcast_in_dim3A_151 = vector.broadcast %broadcast_in_dim3A_150 : i1 to vector<16xi1>
        %unique3A, %unique3A_152 = tpu.scan_count mask(%broadcast_in_dim3A_151 : vector<16xi1>) value(%get3A_145 : vector<16xi32>) : vector<16xi1>, vector<16xi32>
        %gather3A = tpu.vector_load_idx %arg14[%get3A_145] : memref<2048xi32, #tpu.memory_space<vmem>>[vector<16xi32>], vector<16xi32>,
        %sub3A_153 = arith.constant 1 : i32
        %sub3A_154 = vector.broadcast %sub3A_153 : i32 to vector<16xi32>
        %sub3A_155 = arith.subi %unique3A_152, %sub3A_154 : vector<16xi32>
        %add3A_156 = arith.addi %gather3A, %sub3A_155 : vector<16xi32>
        tpu.vector_store_idx %arg10[%add3A_156], %get3A_149 : memref<8192xf32, #tpu.memory_space<vmem>>[vector<16xi32>], vector<16xf32>,
        %mul3A_157 = arith.constant 16 : i32
        %mul3A_158 = arith.muli %add3A_142, %mul3A_157 : i32
        %add3A_159 = vector.broadcast %mul3A_158 : i32 to vector<16xi32>
        %add3A_160 = arith.addi %iota3A, %add3A_159 : vector<16xi32>
        tpu.vector_store_idx %arg11[%add3A_156], %add3A_160 : memref<8192xi32, #tpu.memory_space<vmem>>[vector<16xi32>], vector<16xi32>,
        tpu.vector_store_idx %arg14[%get3A_145], %unique3A_152 masked %unique3A {add = true} : memref<2048xi32, #tpu.memory_space<vmem>>[vector<16xi32>], vector<16xi32>, vector<16xi1>
        %mul3A_161 = arith.constant 4 : i32
        %mul3A_162 = arith.muli %scan3A_137, %mul3A_161 : i32
        %add3A_163 = arith.constant 1 : i32
        %add3A_164 = arith.addi %mul3A_162, %add3A_163 : i32
        %mul3A_165 = arith.constant 16 : i32
        %mul3A_166 = arith.muli %add3A_164, %mul3A_165 : i32
        %get3A_167 = arith.index_cast %mul3A_166 : i32 to index
        %get3A_168 = tpu.vector_load %arg9[%get3A_167] {strides = array<i32>} : memref<8192xi32, #tpu.memory_space<vmem>>, vector<16xi32>,
        %mul3A_169 = arith.constant 16 : i32
        %mul3A_170 = arith.muli %add3A_164, %mul3A_169 : i32
        %get3A_171 = arith.index_cast %mul3A_170 : i32 to index
        %get3A_172 = tpu.vector_load %arg6[%get3A_171] {strides = array<i32>} : memref<8192xf32, #tpu.memory_space<vmem>>, vector<16xf32>,
        %broadcast_in_dim3A_173 = arith.constant true
        %broadcast_in_dim3A_174 = vector.broadcast %broadcast_in_dim3A_173 : i1 to vector<16xi1>
        %unique3A_175, %unique3A_176 = tpu.scan_count mask(%broadcast_in_dim3A_174 : vector<16xi1>) value(%get3A_168 : vector<16xi32>) : vector<16xi1>, vector<16xi32>
        %gather3A_177 = tpu.vector_load_idx %arg14[%get3A_168] : memref<2048xi32, #tpu.memory_space<vmem>>[vector<16xi32>], vector<16xi32>,
        %sub3A_178 = arith.constant 1 : i32
        %sub3A_179 = vector.broadcast %sub3A_178 : i32 to vector<16xi32>
        %sub3A_180 = arith.subi %unique3A_176, %sub3A_179 : vector<16xi32>
        %add3A_181 = arith.addi %gather3A_177, %sub3A_180 : vector<16xi32>
        tpu.vector_store_idx %arg10[%add3A_181], %get3A_172 : memref<8192xf32, #tpu.memory_space<vmem>>[vector<16xi32>], vector<16xf32>,
        %mul3A_182 = arith.constant 16 : i32
        %mul3A_183 = arith.muli %add3A_164, %mul3A_182 : i32
        %add3A_184 = vector.broadcast %mul3A_183 : i32 to vector<16xi32>
        %add3A_185 = arith.addi %iota3A, %add3A_184 : vector<16xi32>
        tpu.vector_store_idx %arg11[%add3A_181], %add3A_185 : memref<8192xi32, #tpu.memory_space<vmem>>[vector<16xi32>], vector<16xi32>,
        tpu.vector_store_idx %arg14[%get3A_168], %unique3A_176 masked %unique3A_175 {add = true} : memref<2048xi32, #tpu.memory_space<vmem>>[vector<16xi32>], vector<16xi32>, vector<16xi1>
        %mul3A_186 = arith.constant 4 : i32
        %mul3A_187 = arith.muli %scan3A_137, %mul3A_186 : i32
        %add3A_188 = arith.constant 2 : i32
        %add3A_189 = arith.addi %mul3A_187, %add3A_188 : i32
        %mul3A_190 = arith.constant 16 : i32
        %mul3A_191 = arith.muli %add3A_189, %mul3A_190 : i32
        %get3A_192 = arith.index_cast %mul3A_191 : i32 to index
        %get3A_193 = tpu.vector_load %arg9[%get3A_192] {strides = array<i32>} : memref<8192xi32, #tpu.memory_space<vmem>>, vector<16xi32>,
        %mul3A_194 = arith.constant 16 : i32
        %mul3A_195 = arith.muli %add3A_189, %mul3A_194 : i32
        %get3A_196 = arith.index_cast %mul3A_195 : i32 to index
        %get3A_197 = tpu.vector_load %arg6[%get3A_196] {strides = array<i32>} : memref<8192xf32, #tpu.memory_space<vmem>>, vector<16xf32>,
        %broadcast_in_dim3A_198 = arith.constant true
        %broadcast_in_dim3A_199 = vector.broadcast %broadcast_in_dim3A_198 : i1 to vector<16xi1>
        %unique3A_200, %unique3A_201 = tpu.scan_count mask(%broadcast_in_dim3A_199 : vector<16xi1>) value(%get3A_193 : vector<16xi32>) : vector<16xi1>, vector<16xi32>
        %gather3A_202 = tpu.vector_load_idx %arg14[%get3A_193] : memref<2048xi32, #tpu.memory_space<vmem>>[vector<16xi32>], vector<16xi32>,
        %sub3A_203 = arith.constant 1 : i32
        %sub3A_204 = vector.broadcast %sub3A_203 : i32 to vector<16xi32>
        %sub3A_205 = arith.subi %unique3A_201, %sub3A_204 : vector<16xi32>
        %add3A_206 = arith.addi %gather3A_202, %sub3A_205 : vector<16xi32>
        tpu.vector_store_idx %arg10[%add3A_206], %get3A_197 : memref<8192xf32, #tpu.memory_space<vmem>>[vector<16xi32>], vector<16xf32>,
        %mul3A_207 = arith.constant 16 : i32
        %mul3A_208 = arith.muli %add3A_189, %mul3A_207 : i32
        %add3A_209 = vector.broadcast %mul3A_208 : i32 to vector<16xi32>
        %add3A_210 = arith.addi %iota3A, %add3A_209 : vector<16xi32>
        tpu.vector_store_idx %arg11[%add3A_206], %add3A_210 : memref<8192xi32, #tpu.memory_space<vmem>>[vector<16xi32>], vector<16xi32>,
        tpu.vector_store_idx %arg14[%get3A_193], %unique3A_201 masked %unique3A_200 {add = true} : memref<2048xi32, #tpu.memory_space<vmem>>[vector<16xi32>], vector<16xi32>, vector<16xi1>
        %mul3A_211 = arith.constant 4 : i32
        %mul3A_212 = arith.muli %scan3A_137, %mul3A_211 : i32
        %add3A_213 = arith.constant 3 : i32
        %add3A_214 = arith.addi %mul3A_212, %add3A_213 : i32
        %mul3A_215 = arith.constant 16 : i32
        %mul3A_216 = arith.muli %add3A_214, %mul3A_215 : i32
        %get3A_217 = arith.index_cast %mul3A_216 : i32 to index
        %get3A_218 = tpu.vector_load %arg9[%get3A_217] {strides = array<i32>} : memref<8192xi32, #tpu.memory_space<vmem>>, vector<16xi32>,
        %mul3A_219 = arith.constant 16 : i32
        %mul3A_220 = arith.muli %add3A_214, %mul3A_219 : i32
        %get3A_221 = arith.index_cast %mul3A_220 : i32 to index
        %get3A_222 = tpu.vector_load %arg6[%get3A_221] {strides = array<i32>} : memref<8192xf32, #tpu.memory_space<vmem>>, vector<16xf32>,
        %broadcast_in_dim3A_223 = arith.constant true
        %broadcast_in_dim3A_224 = vector.broadcast %broadcast_in_dim3A_223 : i1 to vector<16xi1>
        %unique3A_225, %unique3A_226 = tpu.scan_count mask(%broadcast_in_dim3A_224 : vector<16xi1>) value(%get3A_218 : vector<16xi32>) : vector<16xi1>, vector<16xi32>
        %gather3A_227 = tpu.vector_load_idx %arg14[%get3A_218] : memref<2048xi32, #tpu.memory_space<vmem>>[vector<16xi32>], vector<16xi32>,
        %sub3A_228 = arith.constant 1 : i32
        %sub3A_229 = vector.broadcast %sub3A_228 : i32 to vector<16xi32>
        %sub3A_230 = arith.subi %unique3A_226, %sub3A_229 : vector<16xi32>
        %add3A_231 = arith.addi %gather3A_227, %sub3A_230 : vector<16xi32>
        tpu.vector_store_idx %arg10[%add3A_231], %get3A_222 : memref<8192xf32, #tpu.memory_space<vmem>>[vector<16xi32>], vector<16xf32>,
        %mul3A_232 = arith.constant 16 : i32
        %mul3A_233 = arith.muli %add3A_214, %mul3A_232 : i32
        %add3A_234 = vector.broadcast %mul3A_233 : i32 to vector<16xi32>
        %add3A_235 = arith.addi %iota3A, %add3A_234 : vector<16xi32>
        tpu.vector_store_idx %arg11[%add3A_231], %add3A_235 : memref<8192xi32, #tpu.memory_space<vmem>>[vector<16xi32>], vector<16xi32>,
        tpu.vector_store_idx %arg14[%get3A_218], %unique3A_226 masked %unique3A_225 {add = true} : memref<2048xi32, #tpu.memory_space<vmem>>[vector<16xi32>], vector<16xi32>, vector<16xi1>
        %scan3A_236 = arith.constant 0 : i32
        scf.yield %scan3A_236 : i32
      }
      %scan3A_113 = arith.constant 128 : i32
      %broadcast_in_dim3A_114 = arith.constant -1 : i32
      %broadcast_in_dim3A_115 = vector.broadcast %broadcast_in_dim3A_114 : i32 to vector<16xi32>
      %scan3A_116 = arith.constant 0 : i32
      %scan3A_117 = arith.constant 64 : i32
      %scan3A_118 = arith.addi %scan3A_116, %scan3A_117 : i32
      %scan3A_119 = arith.constant 1 : i32
      %scan3A_120 = scf.for %scan3A_137 = %scan3A_116 to %scan3A_118 step %scan3A_119 iter_args(%scan3A_138 = %broadcast_in_dim3A_115) -> (vector<16xi32>)  : i32 {
        %mul3A_139 = arith.constant 2 : i32
        %mul3A_140 = arith.muli %scan3A_137, %mul3A_139 : i32
        %add3A_141 = arith.constant 0 : i32
        %add3A_142 = arith.addi %mul3A_140, %add3A_141 : i32
        %mul3A_143 = arith.constant 16 : i32
        %mul3A_144 = arith.muli %add3A_142, %mul3A_143 : i32
        %get3A = arith.index_cast %mul3A_144 : i32 to index
        %get3A_145 = tpu.vector_load %arg12[%get3A] {strides = array<i32>} : memref<2048xi32, #tpu.memory_space<vmem>>, vector<16xi32>,
        %mul3A_146 = arith.constant 16 : i32
        %mul3A_147 = arith.muli %add3A_142, %mul3A_146 : i32
        %add3A_148 = vector.broadcast %mul3A_147 : i32 to vector<16xi32>
        %add3A_149 = arith.addi %iota3A, %add3A_148 : vector<16xi32>
        %gt3A_150 = arith.constant 0 : i32
        %gt3A_151 = vector.broadcast %gt3A_150 : i32 to vector<16xi32>
        %gt3A_152 = arith.cmpi sgt, %get3A_145, %gt3A_151 : vector<16xi32>
        %jit3A_153 = arith.constant -1 : i32
        %broadcast_in_dim3A_154 = vector.broadcast %jit3A_153 : i32 to vector<16xi32>
        %select_n3A_155 = arith.select %gt3A_152, %add3A_149, %broadcast_in_dim3A_154 : vector<16xi1>, vector<16xi32>
        %broadcast_in_dim3A_156 = arith.constant true
        %broadcast_in_dim3A_157 = vector.broadcast %broadcast_in_dim3A_156 : i1 to vector<16xi1>
        %masked_cummax3A = arith.constant -2147483648 : i32
        %masked_cummax3A_158 = vector.broadcast %masked_cummax3A : i32 to vector<16xi32>
        %masked_cummax3A_159 = arith.xori %select_n3A_155, %masked_cummax3A_158 : vector<16xi32>
        %masked_cummax3A_160 = tpu.scan <max>, %masked_cummax3A_159 masked %broadcast_in_dim3A_157 : vector<16xi32>, vector<16xi1> -> vector<16xi32>
        %masked_cummax3A_161 = arith.xori %masked_cummax3A_160, %masked_cummax3A_158 : vector<16xi32>
        %sub3A_162 = arith.constant 1 : i32
        %sub3A_163 = vector.broadcast %sub3A_162 : i32 to vector<16xi32>
        %sub3A_164 = arith.subi %iota3A, %sub3A_163 : vector<16xi32>
        %max3A = arith.constant 0 : i32
        %max3A_165 = vector.broadcast %max3A : i32 to vector<16xi32>
        %max3A_166 = arith.maxsi %sub3A_164, %max3A_165 : vector<16xi32>
        %lt3A_167 = arith.constant 0 : i32
        %lt3A_168 = vector.broadcast %lt3A_167 : i32 to vector<16xi32>
        %lt3A_169 = arith.cmpi slt, %max3A_166, %lt3A_168 : vector<16xi32>
        %add3A_170 = arith.constant 16 : i32
        %add3A_171 = vector.broadcast %add3A_170 : i32 to vector<16xi32>
        %add3A_172 = arith.addi %max3A_166, %add3A_171 : vector<16xi32>
        %select_n3A_173 = arith.select %lt3A_169, %add3A_172, %max3A_166 : vector<16xi1>, vector<16xi32>
        %broadcast_in_dim3A_174 = vector.shape_cast %select_n3A_173 : vector<16xi32> to vector<16x1xi32>
        %gather3A = vector.shape_cast %broadcast_in_dim3A_174 : vector<16x1xi32> to vector<16xi32>
        %gather3A_175 = tpu.dynamic_gather %masked_cummax3A_161[%gather3A] in [0] : vector<16xi32>, vector<16xi32> -> vector<16xi32>
        %eq3A_176 = arith.constant 0 : i32
        %eq3A_177 = vector.broadcast %eq3A_176 : i32 to vector<16xi32>
        %eq3A_178 = arith.cmpi eq, %iota3A, %eq3A_177 : vector<16xi32>
        %jit3A_179 = arith.constant -1 : i32
        %broadcast_in_dim3A_180 = vector.broadcast %jit3A_179 : i32 to vector<16xi32>
        %select_n3A_181 = arith.select %eq3A_178, %broadcast_in_dim3A_180, %gather3A_175 : vector<16xi1>, vector<16xi32>
        %max3A_182 = arith.maxsi %scan3A_138, %select_n3A_181 : vector<16xi32>
        %ge3A = arith.constant 0 : i32
        %ge3A_183 = vector.broadcast %ge3A : i32 to vector<16xi32>
        %ge3A_184 = arith.cmpi sge, %max3A_182, %ge3A_183 : vector<16xi32>
        %select_n3A_185 = arith.select %ge3A_184, %max3A_182, %add3A_149 : vector<16xi1>, vector<16xi32>
        %gather3A_186 = tpu.vector_load_idx %arg13[%select_n3A_185] : memref<2064xi32, #tpu.memory_space<vmem>>[vector<16xi32>], vector<16xi32>,
        %mul3A_187 = arith.constant 16 : i32
        %mul3A_188 = arith.muli %add3A_142, %mul3A_187 : i32
        %swap3A_189 = arith.index_cast %mul3A_188 : i32 to index
        %swap3A_190 = tpu.vector_load %arg15[%swap3A_189] {strides = array<i32>} : memref<2048xi32, #tpu.memory_space<vmem>>, vector<16xi32>,
        tpu.vector_store %arg15[%swap3A_189], %gather3A_186 {strides = array<i32>} : memref<2048xi32, #tpu.memory_space<vmem>>, vector<16xi32>,
        %lt3A_191 = arith.constant 0 : i32
        %lt3A_192 = vector.broadcast %lt3A_191 : i32 to vector<16xi32>
        %lt3A_193 = arith.cmpi slt, %broadcast_in_dim3A_31, %lt3A_192 : vector<16xi32>
        %add3A_194 = arith.constant 16 : i32
        %add3A_195 = vector.broadcast %add3A_194 : i32 to vector<16xi32>
        %add3A_196 = arith.addi %broadcast_in_dim3A_31, %add3A_195 : vector<16xi32>
        %select_n3A_197 = arith.select %lt3A_193, %add3A_196, %broadcast_in_dim3A_31 : vector<16xi1>, vector<16xi32>
        %broadcast_in_dim3A_198 = vector.shape_cast %select_n3A_197 : vector<16xi32> to vector<16x1xi32>
        %gather3A_199 = vector.shape_cast %broadcast_in_dim3A_198 : vector<16x1xi32> to vector<16xi32>
        %gather3A_200 = tpu.dynamic_gather %masked_cummax3A_161[%gather3A_199] in [0] : vector<16xi32>, vector<16xi32> -> vector<16xi32>
        %max3A_201 = arith.maxsi %scan3A_138, %gather3A_200 : vector<16xi32>
        %mul3A_202 = arith.constant 2 : i32
        %mul3A_203 = arith.muli %scan3A_137, %mul3A_202 : i32
        %add3A_204 = arith.constant 1 : i32
        %add3A_205 = arith.addi %mul3A_203, %add3A_204 : i32
        %mul3A_206 = arith.constant 16 : i32
        %mul3A_207 = arith.muli %add3A_205, %mul3A_206 : i32
        %get3A_208 = arith.index_cast %mul3A_207 : i32 to index
        %get3A_209 = tpu.vector_load %arg12[%get3A_208] {strides = array<i32>} : memref<2048xi32, #tpu.memory_space<vmem>>, vector<16xi32>,
        %mul3A_210 = arith.constant 16 : i32
        %mul3A_211 = arith.muli %add3A_205, %mul3A_210 : i32
        %add3A_212 = vector.broadcast %mul3A_211 : i32 to vector<16xi32>
        %add3A_213 = arith.addi %iota3A, %add3A_212 : vector<16xi32>
        %gt3A_214 = arith.constant 0 : i32
        %gt3A_215 = vector.broadcast %gt3A_214 : i32 to vector<16xi32>
        %gt3A_216 = arith.cmpi sgt, %get3A_209, %gt3A_215 : vector<16xi32>
        %jit3A_217 = arith.constant -1 : i32
        %broadcast_in_dim3A_218 = vector.broadcast %jit3A_217 : i32 to vector<16xi32>
        %select_n3A_219 = arith.select %gt3A_216, %add3A_213, %broadcast_in_dim3A_218 : vector<16xi1>, vector<16xi32>
        %broadcast_in_dim3A_220 = arith.constant true
        %broadcast_in_dim3A_221 = vector.broadcast %broadcast_in_dim3A_220 : i1 to vector<16xi1>
        %masked_cummax3A_222 = arith.constant -2147483648 : i32
        %masked_cummax3A_223 = vector.broadcast %masked_cummax3A_222 : i32 to vector<16xi32>
        %masked_cummax3A_224 = arith.xori %select_n3A_219, %masked_cummax3A_223 : vector<16xi32>
        %masked_cummax3A_225 = tpu.scan <max>, %masked_cummax3A_224 masked %broadcast_in_dim3A_221 : vector<16xi32>, vector<16xi1> -> vector<16xi32>
        %masked_cummax3A_226 = arith.xori %masked_cummax3A_225, %masked_cummax3A_223 : vector<16xi32>
        %sub3A_227 = arith.constant 1 : i32
        %sub3A_228 = vector.broadcast %sub3A_227 : i32 to vector<16xi32>
        %sub3A_229 = arith.subi %iota3A, %sub3A_228 : vector<16xi32>
        %max3A_230 = arith.constant 0 : i32
        %max3A_231 = vector.broadcast %max3A_230 : i32 to vector<16xi32>
        %max3A_232 = arith.maxsi %sub3A_229, %max3A_231 : vector<16xi32>
        %lt3A_233 = arith.constant 0 : i32
        %lt3A_234 = vector.broadcast %lt3A_233 : i32 to vector<16xi32>
        %lt3A_235 = arith.cmpi slt, %max3A_232, %lt3A_234 : vector<16xi32>
        %add3A_236 = arith.constant 16 : i32
        %add3A_237 = vector.broadcast %add3A_236 : i32 to vector<16xi32>
        %add3A_238 = arith.addi %max3A_232, %add3A_237 : vector<16xi32>
        %select_n3A_239 = arith.select %lt3A_235, %add3A_238, %max3A_232 : vector<16xi1>, vector<16xi32>
        %broadcast_in_dim3A_240 = vector.shape_cast %select_n3A_239 : vector<16xi32> to vector<16x1xi32>
        %gather3A_241 = vector.shape_cast %broadcast_in_dim3A_240 : vector<16x1xi32> to vector<16xi32>
        %gather3A_242 = tpu.dynamic_gather %masked_cummax3A_226[%gather3A_241] in [0] : vector<16xi32>, vector<16xi32> -> vector<16xi32>
        %eq3A_243 = arith.constant 0 : i32
        %eq3A_244 = vector.broadcast %eq3A_243 : i32 to vector<16xi32>
        %eq3A_245 = arith.cmpi eq, %iota3A, %eq3A_244 : vector<16xi32>
        %jit3A_246 = arith.constant -1 : i32
        %broadcast_in_dim3A_247 = vector.broadcast %jit3A_246 : i32 to vector<16xi32>
        %select_n3A_248 = arith.select %eq3A_245, %broadcast_in_dim3A_247, %gather3A_242 : vector<16xi1>, vector<16xi32>
        %max3A_249 = arith.maxsi %max3A_201, %select_n3A_248 : vector<16xi32>
        %ge3A_250 = arith.constant 0 : i32
        %ge3A_251 = vector.broadcast %ge3A_250 : i32 to vector<16xi32>
        %ge3A_252 = arith.cmpi sge, %max3A_249, %ge3A_251 : vector<16xi32>
        %select_n3A_253 = arith.select %ge3A_252, %max3A_249, %add3A_213 : vector<16xi1>, vector<16xi32>
        %gather3A_254 = tpu.vector_load_idx %arg13[%select_n3A_253] : memref<2064xi32, #tpu.memory_space<vmem>>[vector<16xi32>], vector<16xi32>,
        %mul3A_255 = arith.constant 16 : i32
        %mul3A_256 = arith.muli %add3A_205, %mul3A_255 : i32
        %swap3A_257 = arith.index_cast %mul3A_256 : i32 to index
        %swap3A_258 = tpu.vector_load %arg15[%swap3A_257] {strides = array<i32>} : memref<2048xi32, #tpu.memory_space<vmem>>, vector<16xi32>,
        tpu.vector_store %arg15[%swap3A_257], %gather3A_254 {strides = array<i32>} : memref<2048xi32, #tpu.memory_space<vmem>>, vector<16xi32>,
        %lt3A_259 = arith.constant 0 : i32
        %lt3A_260 = vector.broadcast %lt3A_259 : i32 to vector<16xi32>
        %lt3A_261 = arith.cmpi slt, %broadcast_in_dim3A_31, %lt3A_260 : vector<16xi32>
        %add3A_262 = arith.constant 16 : i32
        %add3A_263 = vector.broadcast %add3A_262 : i32 to vector<16xi32>
        %add3A_264 = arith.addi %broadcast_in_dim3A_31, %add3A_263 : vector<16xi32>
        %select_n3A_265 = arith.select %lt3A_261, %add3A_264, %broadcast_in_dim3A_31 : vector<16xi1>, vector<16xi32>
        %broadcast_in_dim3A_266 = vector.shape_cast %select_n3A_265 : vector<16xi32> to vector<16x1xi32>
        %gather3A_267 = vector.shape_cast %broadcast_in_dim3A_266 : vector<16x1xi32> to vector<16xi32>
        %gather3A_268 = tpu.dynamic_gather %masked_cummax3A_226[%gather3A_267] in [0] : vector<16xi32>, vector<16xi32> -> vector<16xi32>
        %max3A_269 = arith.maxsi %max3A_201, %gather3A_268 : vector<16xi32>
        scf.yield %max3A_269 : vector<16xi32>
      }
      %scan3A_121 = arith.constant 64 : i32
      %broadcast_in_dim3A_122 = arith.constant 2048 : i32
      %broadcast_in_dim3A_123 = vector.broadcast %broadcast_in_dim3A_122 : i32 to vector<16xi32>
      %scan3A_124 = arith.constant 0 : i32
      %scan3A_125 = arith.constant 64 : i32
      %scan3A_126 = arith.addi %scan3A_124, %scan3A_125 : i32
      %scan3A_127 = arith.constant 1 : i32
      %scan3A_128 = scf.for %scan3A_137 = %scan3A_124 to %scan3A_126 step %scan3A_127 iter_args(%scan3A_138 = %broadcast_in_dim3A_123) -> (vector<16xi32>)  : i32 {
        %mul3A_139 = arith.constant 2 : i32
        %mul3A_140 = arith.muli %scan3A_137, %mul3A_139 : i32
        %add3A_141 = arith.constant 0 : i32
        %add3A_142 = arith.addi %mul3A_140, %add3A_141 : i32
        %sub3A_143 = arith.constant 127 : i32
        %sub3A_144 = arith.subi %sub3A_143, %add3A_142 : i32
        %mul3A_145 = arith.constant 16 : i32
        %mul3A_146 = arith.muli %sub3A_144, %mul3A_145 : i32
        %get3A = arith.index_cast %mul3A_146 : i32 to index
        %get3A_147 = tpu.vector_load %arg12[%get3A] {strides = array<i32>} : memref<2048xi32, #tpu.memory_space<vmem>>, vector<16xi32>,
        %mul3A_148 = arith.constant 16 : i32
        %mul3A_149 = arith.muli %sub3A_144, %mul3A_148 : i32
        %add3A_150 = vector.broadcast %mul3A_149 : i32 to vector<16xi32>
        %add3A_151 = arith.addi %iota3A, %add3A_150 : vector<16xi32>
        %gt3A_152 = arith.constant 0 : i32
        %gt3A_153 = vector.broadcast %gt3A_152 : i32 to vector<16xi32>
        %gt3A_154 = arith.cmpi sgt, %get3A_147, %gt3A_153 : vector<16xi32>
        %jit3A_155 = arith.constant 2048 : i32
        %broadcast_in_dim3A_156 = vector.broadcast %jit3A_155 : i32 to vector<16xi32>
        %select_n3A_157 = arith.select %gt3A_154, %add3A_151, %broadcast_in_dim3A_156 : vector<16xi1>, vector<16xi32>
        %neg3A = arith.constant 0 : i32
        %neg3A_158 = vector.broadcast %neg3A : i32 to vector<16xi32>
        %neg3A_159 = arith.subi %neg3A_158, %select_n3A_157 : vector<16xi32>
        %rev3A = arith.constant 15 : i32
        %rev3A_160 = vector.broadcast %rev3A : i32 to vector<16xi32>
        %rev3A_161 = tpu.iota {dimensions = array<i32: 0>} : vector<16xi32>
        %rev3A_162 = arith.subi %rev3A_160, %rev3A_161 : vector<16xi32>
        %rev3A_163 = tpu.dynamic_gather %neg3A_159[%rev3A_162] in [0] : vector<16xi32>, vector<16xi32> -> vector<16xi32>
        %broadcast_in_dim3A_164 = arith.constant true
        %broadcast_in_dim3A_165 = vector.broadcast %broadcast_in_dim3A_164 : i1 to vector<16xi1>
        %masked_cummax3A = arith.constant -2147483648 : i32
        %masked_cummax3A_166 = vector.broadcast %masked_cummax3A : i32 to vector<16xi32>
        %masked_cummax3A_167 = arith.xori %rev3A_163, %masked_cummax3A_166 : vector<16xi32>
        %masked_cummax3A_168 = tpu.scan <max>, %masked_cummax3A_167 masked %broadcast_in_dim3A_165 : vector<16xi32>, vector<16xi1> -> vector<16xi32>
        %masked_cummax3A_169 = arith.xori %masked_cummax3A_168, %masked_cummax3A_166 : vector<16xi32>
        %rev3A_170 = arith.constant 15 : i32
        %rev3A_171 = vector.broadcast %rev3A_170 : i32 to vector<16xi32>
        %rev3A_172 = tpu.iota {dimensions = array<i32: 0>} : vector<16xi32>
        %rev3A_173 = arith.subi %rev3A_171, %rev3A_172 : vector<16xi32>
        %rev3A_174 = tpu.dynamic_gather %masked_cummax3A_169[%rev3A_173] in [0] : vector<16xi32>, vector<16xi32> -> vector<16xi32>
        %neg3A_175 = arith.constant 0 : i32
        %neg3A_176 = vector.broadcast %neg3A_175 : i32 to vector<16xi32>
        %neg3A_177 = arith.subi %neg3A_176, %rev3A_174 : vector<16xi32>
        %add3A_178 = arith.constant 1 : i32
        %add3A_179 = vector.broadcast %add3A_178 : i32 to vector<16xi32>
        %add3A_180 = arith.addi %iota3A, %add3A_179 : vector<16xi32>
        %min3A = arith.constant 15 : i32
        %min3A_181 = vector.broadcast %min3A : i32 to vector<16xi32>
        %min3A_182 = arith.minsi %add3A_180, %min3A_181 : vector<16xi32>
        %lt3A_183 = arith.constant 0 : i32
        %lt3A_184 = vector.broadcast %lt3A_183 : i32 to vector<16xi32>
        %lt3A_185 = arith.cmpi slt, %min3A_182, %lt3A_184 : vector<16xi32>
        %add3A_186 = arith.constant 16 : i32
        %add3A_187 = vector.broadcast %add3A_186 : i32 to vector<16xi32>
        %add3A_188 = arith.addi %min3A_182, %add3A_187 : vector<16xi32>
        %select_n3A_189 = arith.select %lt3A_185, %add3A_188, %min3A_182 : vector<16xi1>, vector<16xi32>
        %broadcast_in_dim3A_190 = vector.shape_cast %select_n3A_189 : vector<16xi32> to vector<16x1xi32>
        %gather3A = vector.shape_cast %broadcast_in_dim3A_190 : vector<16x1xi32> to vector<16xi32>
        %gather3A_191 = tpu.dynamic_gather %neg3A_177[%gather3A] in [0] : vector<16xi32>, vector<16xi32> -> vector<16xi32>
        %eq3A_192 = arith.constant 15 : i32
        %eq3A_193 = vector.broadcast %eq3A_192 : i32 to vector<16xi32>
        %eq3A_194 = arith.cmpi eq, %iota3A, %eq3A_193 : vector<16xi32>
        %jit3A_195 = arith.constant 2048 : i32
        %broadcast_in_dim3A_196 = vector.broadcast %jit3A_195 : i32 to vector<16xi32>
        %select_n3A_197 = arith.select %eq3A_194, %broadcast_in_dim3A_196, %gather3A_191 : vector<16xi1>, vector<16xi32>
        %min3A_198 = arith.minsi %scan3A_138, %select_n3A_197 : vector<16xi32>
        %lt3A_199 = arith.constant 2048 : i32
        %lt3A_200 = vector.broadcast %lt3A_199 : i32 to vector<16xi32>
        %lt3A_201 = arith.cmpi slt, %min3A_198, %lt3A_200 : vector<16xi32>
        %select_n3A_202 = arith.select %lt3A_201, %min3A_198, %add3A_151 : vector<16xi1>, vector<16xi32>
        %add3A_203 = arith.constant 1 : i32
        %add3A_204 = vector.broadcast %add3A_203 : i32 to vector<16xi32>
        %add3A_205 = arith.addi %select_n3A_202, %add3A_204 : vector<16xi32>
        %gather3A_206 = tpu.vector_load_idx %arg13[%add3A_205] : memref<2064xi32, #tpu.memory_space<vmem>>[vector<16xi32>], vector<16xi32>,
        %mul3A_207 = arith.constant 16 : i32
        %mul3A_208 = arith.muli %sub3A_144, %mul3A_207 : i32
        %swap3A_209 = arith.index_cast %mul3A_208 : i32 to index
        %swap3A_210 = tpu.vector_load %arg16[%swap3A_209] {strides = array<i32>} : memref<2048xi32, #tpu.memory_space<vmem>>, vector<16xi32>,
        tpu.vector_store %arg16[%swap3A_209], %gather3A_206 {strides = array<i32>} : memref<2048xi32, #tpu.memory_space<vmem>>, vector<16xi32>,
        %lt3A_211 = arith.constant 0 : i32
        %lt3A_212 = vector.broadcast %lt3A_211 : i32 to vector<16xi32>
        %lt3A_213 = arith.cmpi slt, %broadcast_in_dim3A_33, %lt3A_212 : vector<16xi32>
        %add3A_214 = arith.constant 16 : i32
        %add3A_215 = vector.broadcast %add3A_214 : i32 to vector<16xi32>
        %add3A_216 = arith.addi %broadcast_in_dim3A_33, %add3A_215 : vector<16xi32>
        %select_n3A_217 = arith.select %lt3A_213, %add3A_216, %broadcast_in_dim3A_33 : vector<16xi1>, vector<16xi32>
        %broadcast_in_dim3A_218 = vector.shape_cast %select_n3A_217 : vector<16xi32> to vector<16x1xi32>
        %gather3A_219 = vector.shape_cast %broadcast_in_dim3A_218 : vector<16x1xi32> to vector<16xi32>
        %gather3A_220 = tpu.dynamic_gather %neg3A_177[%gather3A_219] in [0] : vector<16xi32>, vector<16xi32> -> vector<16xi32>
        %min3A_221 = arith.minsi %scan3A_138, %gather3A_220 : vector<16xi32>
        %mul3A_222 = arith.constant 2 : i32
        %mul3A_223 = arith.muli %scan3A_137, %mul3A_222 : i32
        %add3A_224 = arith.constant 1 : i32
        %add3A_225 = arith.addi %mul3A_223, %add3A_224 : i32
        %sub3A_226 = arith.constant 127 : i32
        %sub3A_227 = arith.subi %sub3A_226, %add3A_225 : i32
        %mul3A_228 = arith.constant 16 : i32
        %mul3A_229 = arith.muli %sub3A_227, %mul3A_228 : i32
        %get3A_230 = arith.index_cast %mul3A_229 : i32 to index
        %get3A_231 = tpu.vector_load %arg12[%get3A_230] {strides = array<i32>} : memref<2048xi32, #tpu.memory_space<vmem>>, vector<16xi32>,
        %mul3A_232 = arith.constant 16 : i32
        %mul3A_233 = arith.muli %sub3A_227, %mul3A_232 : i32
        %add3A_234 = vector.broadcast %mul3A_233 : i32 to vector<16xi32>
        %add3A_235 = arith.addi %iota3A, %add3A_234 : vector<16xi32>
        %gt3A_236 = arith.constant 0 : i32
        %gt3A_237 = vector.broadcast %gt3A_236 : i32 to vector<16xi32>
        %gt3A_238 = arith.cmpi sgt, %get3A_231, %gt3A_237 : vector<16xi32>
        %jit3A_239 = arith.constant 2048 : i32
        %broadcast_in_dim3A_240 = vector.broadcast %jit3A_239 : i32 to vector<16xi32>
        %select_n3A_241 = arith.select %gt3A_238, %add3A_235, %broadcast_in_dim3A_240 : vector<16xi1>, vector<16xi32>
        %neg3A_242 = arith.constant 0 : i32
        %neg3A_243 = vector.broadcast %neg3A_242 : i32 to vector<16xi32>
        %neg3A_244 = arith.subi %neg3A_243, %select_n3A_241 : vector<16xi32>
        %rev3A_245 = arith.constant 15 : i32
        %rev3A_246 = vector.broadcast %rev3A_245 : i32 to vector<16xi32>
        %rev3A_247 = tpu.iota {dimensions = array<i32: 0>} : vector<16xi32>
        %rev3A_248 = arith.subi %rev3A_246, %rev3A_247 : vector<16xi32>
        %rev3A_249 = tpu.dynamic_gather %neg3A_244[%rev3A_248] in [0] : vector<16xi32>, vector<16xi32> -> vector<16xi32>
        %broadcast_in_dim3A_250 = arith.constant true
        %broadcast_in_dim3A_251 = vector.broadcast %broadcast_in_dim3A_250 : i1 to vector<16xi1>
        %masked_cummax3A_252 = arith.constant -2147483648 : i32
        %masked_cummax3A_253 = vector.broadcast %masked_cummax3A_252 : i32 to vector<16xi32>
        %masked_cummax3A_254 = arith.xori %rev3A_249, %masked_cummax3A_253 : vector<16xi32>
        %masked_cummax3A_255 = tpu.scan <max>, %masked_cummax3A_254 masked %broadcast_in_dim3A_251 : vector<16xi32>, vector<16xi1> -> vector<16xi32>
        %masked_cummax3A_256 = arith.xori %masked_cummax3A_255, %masked_cummax3A_253 : vector<16xi32>
        %rev3A_257 = arith.constant 15 : i32
        %rev3A_258 = vector.broadcast %rev3A_257 : i32 to vector<16xi32>
        %rev3A_259 = tpu.iota {dimensions = array<i32: 0>} : vector<16xi32>
        %rev3A_260 = arith.subi %rev3A_258, %rev3A_259 : vector<16xi32>
        %rev3A_261 = tpu.dynamic_gather %masked_cummax3A_256[%rev3A_260] in [0] : vector<16xi32>, vector<16xi32> -> vector<16xi32>
        %neg3A_262 = arith.constant 0 : i32
        %neg3A_263 = vector.broadcast %neg3A_262 : i32 to vector<16xi32>
        %neg3A_264 = arith.subi %neg3A_263, %rev3A_261 : vector<16xi32>
        %add3A_265 = arith.constant 1 : i32
        %add3A_266 = vector.broadcast %add3A_265 : i32 to vector<16xi32>
        %add3A_267 = arith.addi %iota3A, %add3A_266 : vector<16xi32>
        %min3A_268 = arith.constant 15 : i32
        %min3A_269 = vector.broadcast %min3A_268 : i32 to vector<16xi32>
        %min3A_270 = arith.minsi %add3A_267, %min3A_269 : vector<16xi32>
        %lt3A_271 = arith.constant 0 : i32
        %lt3A_272 = vector.broadcast %lt3A_271 : i32 to vector<16xi32>
        %lt3A_273 = arith.cmpi slt, %min3A_270, %lt3A_272 : vector<16xi32>
        %add3A_274 = arith.constant 16 : i32
        %add3A_275 = vector.broadcast %add3A_274 : i32 to vector<16xi32>
        %add3A_276 = arith.addi %min3A_270, %add3A_275 : vector<16xi32>
        %select_n3A_277 = arith.select %lt3A_273, %add3A_276, %min3A_270 : vector<16xi1>, vector<16xi32>
        %broadcast_in_dim3A_278 = vector.shape_cast %select_n3A_277 : vector<16xi32> to vector<16x1xi32>
        %gather3A_279 = vector.shape_cast %broadcast_in_dim3A_278 : vector<16x1xi32> to vector<16xi32>
        %gather3A_280 = tpu.dynamic_gather %neg3A_264[%gather3A_279] in [0] : vector<16xi32>, vector<16xi32> -> vector<16xi32>
        %eq3A_281 = arith.constant 15 : i32
        %eq3A_282 = vector.broadcast %eq3A_281 : i32 to vector<16xi32>
        %eq3A_283 = arith.cmpi eq, %iota3A, %eq3A_282 : vector<16xi32>
        %jit3A_284 = arith.constant 2048 : i32
        %broadcast_in_dim3A_285 = vector.broadcast %jit3A_284 : i32 to vector<16xi32>
        %select_n3A_286 = arith.select %eq3A_283, %broadcast_in_dim3A_285, %gather3A_280 : vector<16xi1>, vector<16xi32>
        %min3A_287 = arith.minsi %min3A_221, %select_n3A_286 : vector<16xi32>
        %lt3A_288 = arith.constant 2048 : i32
        %lt3A_289 = vector.broadcast %lt3A_288 : i32 to vector<16xi32>
        %lt3A_290 = arith.cmpi slt, %min3A_287, %lt3A_289 : vector<16xi32>
        %select_n3A_291 = arith.select %lt3A_290, %min3A_287, %add3A_235 : vector<16xi1>, vector<16xi32>
        %add3A_292 = arith.constant 1 : i32
        %add3A_293 = vector.broadcast %add3A_292 : i32 to vector<16xi32>
        %add3A_294 = arith.addi %select_n3A_291, %add3A_293 : vector<16xi32>
        %gather3A_295 = tpu.vector_load_idx %arg13[%add3A_294] : memref<2064xi32, #tpu.memory_space<vmem>>[vector<16xi32>], vector<16xi32>,
        %mul3A_296 = arith.constant 16 : i32
        %mul3A_297 = arith.muli %sub3A_227, %mul3A_296 : i32
        %swap3A_298 = arith.index_cast %mul3A_297 : i32 to index
        %swap3A_299 = tpu.vector_load %arg16[%swap3A_298] {strides = array<i32>} : memref<2048xi32, #tpu.memory_space<vmem>>, vector<16xi32>,
        tpu.vector_store %arg16[%swap3A_298], %gather3A_295 {strides = array<i32>} : memref<2048xi32, #tpu.memory_space<vmem>>, vector<16xi32>,
        %lt3A_300 = arith.constant 0 : i32
        %lt3A_301 = vector.broadcast %lt3A_300 : i32 to vector<16xi32>
        %lt3A_302 = arith.cmpi slt, %broadcast_in_dim3A_33, %lt3A_301 : vector<16xi32>
        %add3A_303 = arith.constant 16 : i32
        %add3A_304 = vector.broadcast %add3A_303 : i32 to vector<16xi32>
        %add3A_305 = arith.addi %broadcast_in_dim3A_33, %add3A_304 : vector<16xi32>
        %select_n3A_306 = arith.select %lt3A_302, %add3A_305, %broadcast_in_dim3A_33 : vector<16xi1>, vector<16xi32>
        %broadcast_in_dim3A_307 = vector.shape_cast %select_n3A_306 : vector<16xi32> to vector<16x1xi32>
        %gather3A_308 = vector.shape_cast %broadcast_in_dim3A_307 : vector<16x1xi32> to vector<16xi32>
        %gather3A_309 = tpu.dynamic_gather %neg3A_264[%gather3A_308] in [0] : vector<16xi32>, vector<16xi32> -> vector<16xi32>
        %min3A_310 = arith.minsi %min3A_221, %gather3A_309 : vector<16xi32>
        scf.yield %min3A_310 : vector<16xi32>
      }
      %scan3A_129 = arith.constant 64 : i32
      %scan3A_130 = arith.constant 0 : i32
      %scan3A_131 = arith.constant 0 : i32
      %scan3A_132 = arith.constant 32 : i32
      %scan3A_133 = arith.addi %scan3A_131, %scan3A_132 : i32
      %scan3A_134 = arith.constant 1 : i32
      %scan3A_135 = scf.for %scan3A_137 = %scan3A_131 to %scan3A_133 step %scan3A_134 iter_args(%scan3A_138 = %scan3A_130) -> (i32)  : i32 {
        %mul3A_139 = arith.constant 16 : i32
        %mul3A_140 = arith.muli %scan3A_137, %mul3A_139 : i32
        %get3A = arith.index_cast %mul3A_140 : i32 to index
        %get3A_141 = tpu.vector_load %arg8[%get3A] {strides = array<i32>} : memref<512xf32, #tpu.memory_space<vmem>>, vector<16xf32>,
        %sub3A_142 = arith.subf %get3A_141, %broadcast_in_dim3A_70 : vector<16xf32>
        %mul3A_143 = arith.mulf %sub3A_142, %select_n3A_83 : vector<16xf32>
        %jit3A_144 = arith.constant 0.000000e+00 : f32
        %jit3A_145 = arith.constant 2.047000e+03 : f32
        %max3A = vector.broadcast %jit3A_144 : f32 to vector<16xf32>
        %max3A_146 = arith.maximumf %max3A, %mul3A_143 : vector<16xf32>
        %min3A = vector.broadcast %jit3A_145 : f32 to vector<16xf32>
        %min3A_147 = arith.minimumf %min3A, %max3A_146 : vector<16xf32>
        %convert_element_type3A_148 = arith.fptosi %min3A_147 : vector<16xf32> to vector<16xi32>
        %gather3A = tpu.vector_load_idx %arg15[%convert_element_type3A_148] : memref<2048xi32, #tpu.memory_space<vmem>>[vector<16xi32>], vector<16xi32>,
        %gather3A_149 = tpu.vector_load_idx %arg16[%convert_element_type3A_148] : memref<2048xi32, #tpu.memory_space<vmem>>[vector<16xi32>], vector<16xi32>,
        %sub3A_150 = arith.subi %gather3A_149, %gather3A : vector<16xi32>
        %reduce_max3A_151 = arith.constant true
        %reduce_max3A_152 = vector.broadcast %reduce_max3A_151 : i1 to vector<16xi1>
        %reduce_max3A_153 = arith.constant -2147483648 : i32
        %reduce_max3A_154 = vector.broadcast %reduce_max3A_153 : i32 to vector<16xi32>
        %reduce_max3A_155 = arith.xori %sub3A_150, %reduce_max3A_154 : vector<16xi32>
        %reduce_max3A_156 = tpu.scan <max>, %reduce_max3A_155 masked %reduce_max3A_152 : vector<16xi32>, vector<16xi1> -> vector<16xi32>
        %reduce_max3A_157 = arith.xori %reduce_max3A_156, %reduce_max3A_154 : vector<16xi32>
        %reduce_max3A_158 = vector.extract %reduce_max3A_157[15] : i32 from vector<16xi32>
        %broadcast_in_dim3A_159 = arith.constant 0x7F800000 : f32
        %broadcast_in_dim3A_160 = vector.broadcast %broadcast_in_dim3A_159 : f32 to vector<16xf32>
        %broadcast_in_dim3A_161 = arith.constant 8192 : i32
        %broadcast_in_dim3A_162 = vector.broadcast %broadcast_in_dim3A_161 : i32 to vector<16xi32>
        %broadcast_in_dim3A_163 = arith.constant 0.000000e+00 : f32
        %broadcast_in_dim3A_164 = vector.broadcast %broadcast_in_dim3A_163 : f32 to vector<16xf32>
        %while3A = arith.constant 0 : i32
        %while3A_165 = arith.subi %reduce_max3A_158, %while3A : i32
        %while3A_166 = arith.addi %while3A, %while3A_165 : i32
        %while3A_167 = arith.constant 1 : i32
        %while3A_168 = arith.divsi %while3A_165, %while3A_167 : i32
        %while3A_169 = arith.muli %while3A_168, %while3A_167 : i32
        %while3A_170 = arith.addi %while3A, %while3A_169 : i32
        %while3A_171 = arith.constant 1 : i32
        %while3A_172:3 = scf.for %while3A_184 = %while3A to %while3A_170 step %while3A_171 iter_args(%while3A_185 = %broadcast_in_dim3A_160, %while3A_186 = %broadcast_in_dim3A_162, %while3A_187 = %broadcast_in_dim3A_164) -> (vector<16xf32>, vector<16xi32>, vector<16xf32>)  : i32 {
          %add3A_188 = vector.broadcast %while3A_184 : i32 to vector<16xi32>
          %add3A_189 = arith.addi %gather3A, %add3A_188 : vector<16xi32>
          %lt3A_190 = arith.cmpi slt, %add3A_189, %gather3A_149 : vector<16xi32>
          %jit3A_191 = arith.constant 0 : i32
          %broadcast_in_dim3A_192 = vector.broadcast %jit3A_191 : i32 to vector<16xi32>
          %select_n3A_193 = arith.select %lt3A_190, %add3A_189, %broadcast_in_dim3A_192 : vector<16xi1>, vector<16xi32>
          %gather3A_194 = tpu.vector_load_idx %arg10[%select_n3A_193] : memref<8192xf32, #tpu.memory_space<vmem>>[vector<16xi32>], vector<16xf32>,
          %gather3A_195 = tpu.vector_load_idx %arg11[%select_n3A_193] : memref<8192xi32, #tpu.memory_space<vmem>>[vector<16xi32>], vector<16xi32>,
          %jit3A_196 = arith.constant 8192 : i32
          %broadcast_in_dim3A_197 = vector.broadcast %jit3A_196 : i32 to vector<16xi32>
          %select_n3A_198 = arith.select %lt3A_190, %gather3A_195, %broadcast_in_dim3A_197 : vector<16xi1>, vector<16xi32>
          %sub3A_199 = arith.subf %get3A_141, %gather3A_194 : vector<16xf32>
          %mul3A_200 = arith.mulf %sub3A_199, %sub3A_199 : vector<16xf32>
          %jit3A_201 = arith.constant 0x7F800000 : f32
          %broadcast_in_dim3A_202 = vector.broadcast %jit3A_201 : f32 to vector<16xf32>
          %select_n3A_203 = arith.select %lt3A_190, %mul3A_200, %broadcast_in_dim3A_202 : vector<16xi1>, vector<16xf32>
          %lt3A_204 = arith.cmpf olt, %select_n3A_203, %while3A_185 : vector<16xf32>
          %eq3A_205 = arith.cmpf oeq, %select_n3A_203, %while3A_185 : vector<16xf32>
          %lt3A_206 = arith.cmpi slt, %select_n3A_198, %while3A_186 : vector<16xi32>
          %and3A_207 = arith.andi %eq3A_205, %lt3A_206 : vector<16xi1>
          %or3A = arith.ori %lt3A_204, %and3A_207 : vector<16xi1>
          %select_n3A_208 = arith.select %or3A, %select_n3A_203, %while3A_185 : vector<16xi1>, vector<16xf32>
          %select_n3A_209 = arith.select %or3A, %select_n3A_198, %while3A_186 : vector<16xi1>, vector<16xi32>
          %select_n3A_210 = arith.select %or3A, %gather3A_194, %while3A_187 : vector<16xi1>, vector<16xf32>
          scf.yield %select_n3A_208, %select_n3A_209, %select_n3A_210 : vector<16xf32>, vector<16xi32>, vector<16xf32>
        }
        %while3A_173 = arith.constant 1 : i32
        %while3A_174:3 = scf.for %while3A_184 = %while3A_170 to %while3A_166 step %while3A_173 iter_args(%while3A_185 = %while3A_172#0, %while3A_186 = %while3A_172#1, %while3A_187 = %while3A_172#2) -> (vector<16xf32>, vector<16xi32>, vector<16xf32>)  : i32 {
          %add3A_188 = vector.broadcast %while3A_184 : i32 to vector<16xi32>
          %add3A_189 = arith.addi %gather3A, %add3A_188 : vector<16xi32>
          %lt3A_190 = arith.cmpi slt, %add3A_189, %gather3A_149 : vector<16xi32>
          %jit3A_191 = arith.constant 0 : i32
          %broadcast_in_dim3A_192 = vector.broadcast %jit3A_191 : i32 to vector<16xi32>
          %select_n3A_193 = arith.select %lt3A_190, %add3A_189, %broadcast_in_dim3A_192 : vector<16xi1>, vector<16xi32>
          %gather3A_194 = tpu.vector_load_idx %arg10[%select_n3A_193] : memref<8192xf32, #tpu.memory_space<vmem>>[vector<16xi32>], vector<16xf32>,
          %gather3A_195 = tpu.vector_load_idx %arg11[%select_n3A_193] : memref<8192xi32, #tpu.memory_space<vmem>>[vector<16xi32>], vector<16xi32>,
          %jit3A_196 = arith.constant 8192 : i32
          %broadcast_in_dim3A_197 = vector.broadcast %jit3A_196 : i32 to vector<16xi32>
          %select_n3A_198 = arith.select %lt3A_190, %gather3A_195, %broadcast_in_dim3A_197 : vector<16xi1>, vector<16xi32>
          %sub3A_199 = arith.subf %get3A_141, %gather3A_194 : vector<16xf32>
          %mul3A_200 = arith.mulf %sub3A_199, %sub3A_199 : vector<16xf32>
          %jit3A_201 = arith.constant 0x7F800000 : f32
          %broadcast_in_dim3A_202 = vector.broadcast %jit3A_201 : f32 to vector<16xf32>
          %select_n3A_203 = arith.select %lt3A_190, %mul3A_200, %broadcast_in_dim3A_202 : vector<16xi1>, vector<16xf32>
          %lt3A_204 = arith.cmpf olt, %select_n3A_203, %while3A_185 : vector<16xf32>
          %eq3A_205 = arith.cmpf oeq, %select_n3A_203, %while3A_185 : vector<16xf32>
          %lt3A_206 = arith.cmpi slt, %select_n3A_198, %while3A_186 : vector<16xi32>
          %and3A_207 = arith.andi %eq3A_205, %lt3A_206 : vector<16xi1>
          %or3A = arith.ori %lt3A_204, %and3A_207 : vector<16xi1>
          %select_n3A_208 = arith.select %or3A, %select_n3A_203, %while3A_185 : vector<16xi1>, vector<16xf32>
          %select_n3A_209 = arith.select %or3A, %select_n3A_198, %while3A_186 : vector<16xi1>, vector<16xi32>
          %select_n3A_210 = arith.select %or3A, %gather3A_194, %while3A_187 : vector<16xi1>, vector<16xf32>
          scf.yield %select_n3A_208, %select_n3A_209, %select_n3A_210 : vector<16xf32>, vector<16xi32>, vector<16xf32>
        }
        %mul3A_175 = arith.constant 16 : i32
        %mul3A_176 = arith.muli %scan3A_137, %mul3A_175 : i32
        %swap3A_177 = arith.index_cast %mul3A_176 : i32 to index
        %swap3A_178 = tpu.vector_load %arg17[%swap3A_177] {strides = array<i32>} : memref<512xi32, #tpu.memory_space<vmem>>, vector<16xi32>,
        tpu.vector_store %arg17[%swap3A_177], %while3A_174#1 {strides = array<i32>} : memref<512xi32, #tpu.memory_space<vmem>>, vector<16xi32>,
        %mul3A_179 = arith.constant 16 : i32
        %mul3A_180 = arith.muli %scan3A_137, %mul3A_179 : i32
        %swap3A_181 = arith.index_cast %mul3A_180 : i32 to index
        %swap3A_182 = tpu.vector_load %arg18[%swap3A_181] {strides = array<i32>} : memref<512xf32, #tpu.memory_space<vmem>>, vector<16xf32>,
        tpu.vector_store %arg18[%swap3A_181], %while3A_174#2 {strides = array<i32>} : memref<512xf32, #tpu.memory_space<vmem>>, vector<16xf32>,
        %scan3A_183 = arith.constant 0 : i32
        scf.yield %scan3A_183 : i32
      }
      %scan3A_136 = arith.constant 32 : i32
      "tpu.region"() ({
        %run_scoped3A = tpu.sem_alloc : memref<!tpu.dma_semaphore, #tpu.memory_space<semaphore_mem>>
        %dma_start3A = tpu.memref_slice %arg4[%add3A_44] : memref<12288xi32, #tpu.memory_space<hbm>> -> memref<512xi32, #tpu.memory_space<hbm>>
        %dma_start3A_137 = tpu.memref_slice %arg4[%add3A_44] : memref<12288xi32, #tpu.memory_space<hbm>> -> memref<512xi32, #tpu.memory_space<hbm>>
        tpu.enqueue_dma source(%arg17 : memref<512xi32, #tpu.memory_space<vmem>>) target(%dma_start3A_137 : memref<512xi32, #tpu.memory_space<hbm>>) target_semaphore(%run_scoped3A : memref<!tpu.dma_semaphore, #tpu.memory_space<semaphore_mem>>)
        %dma_wait3A = tpu.memref_slice %arg4[%add3A_44] : memref<12288xi32, #tpu.memory_space<hbm>> -> memref<512xi32, #tpu.memory_space<hbm>>
        %dma_wait3A_138 = tpu.memref_slice %arg4[%add3A_44] : memref<12288xi32, #tpu.memory_space<hbm>> -> memref<512xi32, #tpu.memory_space<hbm>>
        tpu.wait_dma2 semaphore(%run_scoped3A : memref<!tpu.dma_semaphore, #tpu.memory_space<semaphore_mem>>) src(%arg17 : memref<512xi32, #tpu.memory_space<vmem>>) dst(%dma_wait3A_138 : memref<512xi32, #tpu.memory_space<hbm>>)
        tpu.yield
      }) : () -> ()
      "tpu.region"() ({
        %run_scoped3A = tpu.sem_alloc : memref<!tpu.dma_semaphore, #tpu.memory_space<semaphore_mem>>
        %dma_start3A = tpu.memref_slice %arg5[%add3A_44] : memref<12288xf32, #tpu.memory_space<hbm>> -> memref<512xf32, #tpu.memory_space<hbm>>
        %dma_start3A_137 = tpu.memref_slice %arg5[%add3A_44] : memref<12288xf32, #tpu.memory_space<hbm>> -> memref<512xf32, #tpu.memory_space<hbm>>
        tpu.enqueue_dma source(%arg18 : memref<512xf32, #tpu.memory_space<vmem>>) target(%dma_start3A_137 : memref<512xf32, #tpu.memory_space<hbm>>) target_semaphore(%run_scoped3A : memref<!tpu.dma_semaphore, #tpu.memory_space<semaphore_mem>>)
        %dma_wait3A = tpu.memref_slice %arg5[%add3A_44] : memref<12288xf32, #tpu.memory_space<hbm>> -> memref<512xf32, #tpu.memory_space<hbm>>
        %dma_wait3A_138 = tpu.memref_slice %arg5[%add3A_44] : memref<12288xf32, #tpu.memory_space<hbm>> -> memref<512xf32, #tpu.memory_space<hbm>>
        tpu.wait_dma2 semaphore(%run_scoped3A : memref<!tpu.dma_semaphore, #tpu.memory_space<semaphore_mem>>) src(%arg18 : memref<512xf32, #tpu.memory_space<vmem>>) dst(%dma_wait3A_138 : memref<512xf32, #tpu.memory_space<hbm>>)
        tpu.yield
      }) : () -> ()
    } else {
    }
    return
  }
}

</mosaic_0001>

<sc_bundles>
// kernel: kernel.3.cloned.1.call-start
scs
__scs_entry_jumppad:
0x0: {  	(pc) =	sbr.rel $0x88, $3  }
0x1: {  	(tag) =	ssettag $0x0;
	lr =	simm.s32 $0x1  }
0x2: {  	[smem:$0x3F9F] =	sst lr;
	_ =	strace $0xD0000000  }
0x3: {  	_ = 	snop  }
0x4: {  	_ = 	snop  }
0x5: {  	_ = 	snop  }
0x6: {  	_ = 	snop  }
0x7: {  	_ = 	snop  }
__scs_overlays_trampoline_lowered:
0x8: {  	[smem:$0x3FAE] =	sst s0  }
0x9: {  	[smem:$0x3FAF] =	sst s1  }
0xa: {  	[smem:$0x3FB0] =	sst s2  }
0xb: {  	[smem:$0x3FB1] =	sst s3  }
0xc: {  	[smem:$0x3FB2] =	sst s4  }
0xd: {  	[smem:$0x3FB3] =	sst s5  }
0xe: {  	[smem:$0x3FB4] =	sst s6  }
0xf: {  	[smem:$0x3FB5] =	sst s7  }
0x10: {  	[smem:$0x3FB6] =	sst s8  }
0x11: {  	[smem:$0x3FB7] =	sst s9;
	s0 =	simm.s32 @!p0 $0x0  }
0x12: {  	s1 =	sld [smem:$0x3F9D];
	s0 =	simm.s32 @p0 $0x1  }
0x13: {  	[smem:$0x3FB8] =	sst s0;
	s0 =	simm.s32 @!p1 $0x0  }
0x14: {  	s2 =	sld [smem:$0x3F9C];
	s0 =	simm.s32 @p1 $0x1  }
0x15: {  	[smem:$0x3FB9] =	sst s0;
	s0 =	simm.s32 @!p2 $0x0  }
0x16: {  	s3 =	sld [smem:$0x3FDB];
	s0 =	simm.s32 @p2 $0x1  }
0x17: {  	s4 =	simm.s32 $0x1BF5;
	[smem:$0x3FBB] =	sst s0  }
0x18: {  	s0 =	sld [smem:$0x3F9E];
	_ =	swait.ge [sflag:s4], $0x0  }
0x19: {  	s7 =	sld [smem:$0x3F9F]  }
0x1a: {  	s8 =	sadd.s32 $0xFFFFE003, lr  }
0x1b: {  	s9 =	sadd.s32 $0xFFFFFEF7, lr;
	s5 =	simm.s32 $0xFFFFFFFF;
	p2 =	slt.u32 s8, $0xFFFFF086  }
0x1c: {  	p1 =	slt.u32 s9, $0xF7A;
	s5 =	simm.s32 @!p2 $0x0  }
0x1d: {  	s5 =	simm.s32 @p1 $0x1;
	p0 =	seq.s32 s7, s2  }
0x1e: {  	s7 =	smul.u32 @!p0 $0xF7A, s2;
	p2 =	seq.s32 @!p0 s5, $0x0  }
0x1f: {  	s9 =	smul.u32 $0xF7A, s1;
	s8 =	simm.s32 @!p0 $0x1BF5;
	p2 =	por !p2, p0  }
0x20: {  	[sflag:s8] =	ssyncset.s32 @!p0 $0xFFFFF086;
	s6 =	sadd.s32 @!p0 s3, s7;
	s7 =	simm.s32 @!p0 $0x108  }
0x21: {  	s3 =	sadd.s32 s3, s9;
	s6 =	sadd.s32 @!p0 $0x88, s6;
	s7 =	simm.s32 @p2 $0x1082  }
0x22: {  	[simem:s7], [sflag:s8] =	dma.local @!p0 [hbm:s6], $0xF7A  }
0x23: {  	s9 =	sor.u32 $0xD0000000, s2;
	s6 =	simm.s32 $0x108;
	_ =	swait.ge @!p0 [sflag:s8], $0x0  }
0x24: {  	s3 =	sadd.s32 $0x88, s3;
	s6 =	simm.s32 @!p1 $0x1082;
	[sflag:s4] =	ssyncset.s32 $0xFFFFF086  }
0x25: {  	[simem:s6], [sflag:s4] =	dma.local [hbm:s3], $0xF7A  }
0x26: {  	[smem:$0x3F9F] =	sst s1;
	(tag) =	ssettag s2;
	_ =	strace s9  }
0x27: {  	s1 =	sld [smem:$0x3FAF]  }
0x28: {  	s2 =	sld [smem:$0x3FB0]  }
0x29: {  	s4 =	sld [smem:$0x3FB2]  }
0x2a: {  	p0 =	seq.s32 s5, $0x0;
	s5 =	sld [smem:$0x3FB3]  }
0x2b: {  	s6 =	sld [smem:$0x3FB4]  }
0x2c: {  	s7 =	sld [smem:$0x3FB5]  }
0x2d: {  	s3 =	simm.s32 $0x108;
	s8 =	sld [smem:$0x3FB6]  }
0x2e: {  	s3 =	simm.s32 @!p0 $0x1082;
	s9 =	sld [smem:$0x3FB7]  }
0x2f: {  	lr =	sadd.s32 s0, s3;
	s0 =	sld [smem:$0x3FAE]  }
0x30: {  	s3 =	sld [smem:$0x3FB1]  }
0x31: {  	[smem:$0x3FBA] =	sst s10  }
0x32: {  	s10 =	sld [smem:$0x3FB8];
	_ =	sdelay $0x3  }
0x33: {  	p0 =	seq.s32 s10, $0x1;
	s10 =	sld [smem:$0x3FBA];
	_ =	sdelay $0x3  }
0x34: {  	[smem:$0x3FBA] =	sst s10  }
0x35: {  	s10 =	sld [smem:$0x3FB9];
	_ =	sdelay $0x3  }
0x36: {  	p1 =	seq.s32 s10, $0x1;
	s10 =	sld [smem:$0x3FBA];
	_ =	sdelay $0x3  }
0x37: {  	[smem:$0x3FBA] =	sst s10  }
0x38: {  	s10 =	sld [smem:$0x3FBB]  }
0x39: {  	_ = 	snop;
	(pc) =	sbr.ind lr, $3  }
0x3a: {  	_ = 	snop  }
0x3b: {  	_ = 	snop  }
0x3c: {  	p2 =	seq.s32 s10, $0x1;
	s10 =	sld [smem:$0x3FBA]  }
0x3d: {  	_ =	shalt  }
0x3e: {  	_ =	shalt  }
0x3f: {  	_ =	shalt  }
0x40: {  	_ =	shalt  }
0x41: {  	_ =	shalt  }
0x42: {  	_ =	shalt  }
0x43: {  	_ =	shalt  }
0x44: {  	_ =	shalt  }
0x45: {  	_ =	shalt  }
0x46: {  	_ =	shalt  }
0x47: {  	_ =	shalt  }
0x48: {  	_ =	shalt  }
0x49: {  	_ =	shalt  }
0x4a: {  	_ =	shalt  }
0x4b: {  	_ =	shalt  }
0x4c: {  	_ =	shalt  }
0x4d: {  	_ =	shalt  }
0x4e: {  	_ =	shalt  }
0x4f: {  	_ =	shalt  }
0x50: {  	_ =	shalt  }
0x51: {  	_ =	shalt  }
0x52: {  	_ =	shalt  }
0x53: {  	_ =	shalt  }
0x54: {  	_ =	shalt  }
0x55: {  	_ =	shalt  }
0x56: {  	_ =	shalt  }
0x57: {  	_ =	shalt  }
0x58: {  	_ =	shalt  }
0x59: {  	_ =	shalt  }
0x5a: {  	_ =	shalt  }
0x5b: {  	_ =	shalt  }
0x5c: {  	_ =	shalt  }
0x5d: {  	_ =	shalt  }
0x5e: {  	_ =	shalt  }
0x5f: {  	_ =	shalt  }
0x60: {  	_ =	shalt  }
0x61: {  	_ =	shalt  }
0x62: {  	_ =	shalt  }
0x63: {  	_ =	shalt  }
0x64: {  	_ =	shalt  }
0x65: {  	_ =	shalt  }
0x66: {  	_ =	shalt  }
0x67: {  	_ =	shalt  }
0x68: {  	_ =	shalt  }
0x69: {  	_ =	shalt  }
0x6a: {  	_ =	shalt  }
0x6b: {  	_ =	shalt  }
0x6c: {  	_ =	shalt  }
0x6d: {  	_ =	shalt  }
0x6e: {  	_ =	shalt  }
0x6f: {  	_ =	shalt  }
0x70: {  	_ =	shalt  }
0x71: {  	_ =	shalt  }
0x72: {  	_ =	shalt  }
0x73: {  	_ =	shalt  }
0x74: {  	_ =	shalt  }
0x75: {  	_ =	shalt  }
0x76: {  	_ =	shalt  }
0x77: {  	_ =	shalt  }
0x78: {  	_ =	shalt  }
0x79: {  	_ =	shalt  }
0x7a: {  	_ =	shalt  }
0x7b: {  	_ =	shalt  }
0x7c: {  	_ =	shalt  }
0x7d: {  	_ =	shalt  }
0x7e: {  	_ =	shalt  }
0x7f: {  	_ =	shalt  }
0x80: {  	_ =	shalt  }
0x81: {  	_ =	shalt  }
0x82: {  	_ =	shalt  }
0x83: {  	_ =	shalt  }
0x84: {  	_ =	shalt  }
0x85: {  	_ =	shalt  }
0x86: {  	_ =	shalt  }
0x87: {  	_ =	shalt  }
.Lfunc_end0:
.L_simem_size_0:
called_computation_lowered:
.L_overlay_start_0:
0x88: {  	s2 =	sld [smem:$0x3FD9]  }
0x89: {  	s3 =	sld [smem:$0x3FFE];
	_ =	sdelay $0x1  }
0x8a: {  	s1 =	srdreg.scid  }
0x8b: {  	s0 =	sand.u32 $0x1, s1  }
0x8c: {  	s14 =	sshll.u32 s0, $0xA;
	s2 =	sadd.s32 s3, s2  }
0x8d: {  	s2 =	sadd.s32 s2, s14  }
0x8e: {  	[smem:$0x3FC6] =	sst s2  }
0x8f: {  	_ = 	snop  }
0x90: {  	s2 =	sld [smem:$0x3FD0];
	_ =	sdelay $0x2  }
0x91: {  	s15 =	simm.s32 $0xA;
	s4 =	simm.s32 $0x10  }
0x92: {  	[smem:s4], [sflag:s15] =	dma.local [hbm:s2], $0x1  }
0x93: {  	_ =	swait.eq [sflag:s15], $0x1  }
0x94: {  	[sflag:s15] =	ssyncset.done $0x0  }
0x95: {  	[sflag:s15] =	ssyncadd.s32 $0xFFFFFFFF  }
0x96: {  	s16 =	sld [smem:$0x11];
	(tm) =	ssettm $0x1  }
0x97: {  	s17 =	sld [smem:$0x3FFB];
	_ =	sdelay $0x3  }
0x98: {  	_ =	strace s17  }
0x99: {  	s3 =	sld [smem:$0x3FFC];
	_ =	sdelay $0x3  }
0x9a: {  	_ =	strace s3  }
0x9b: {  	s3 =	sld [smem:$0x3FFD];
	_ =	sdelay $0x3  }
0x9c: {  	_ =	strace s3  }
0x9d: {  	_ =	strace $0x8FFFFFFF  }
0x9e: {  	s18 =	sld [smem:$0x3FDB];
	_ =	sdelay $0x1  }
0x9f: {  	s19 =	simm.s32 $_scs_section_size  }
0xa0: {  	s5 =	simm.s32 $_size__tile_overlayer_lowered;
	s6 =	simm.s32 $_tile_overlayer_lowered  }
0xa1: {  	s22 =	simm.s32 $0x1BFF;
	s21 =	sshll.u32 s6, $0x1;
	s3 =	sadd.s32 s19, s18  }
0xa2: {  	s7 =	simm.s32 $0x0;
	s20 =	sshll.u32 s5, $0x1;
	s5 =	sadd.s32 s21, s3  }
0xa3: {  	[timem:s7], [sflag:s22] =	dma.local [hbm:s5], s20  }
0xa4: {  	_ =	swait.ge [sflag:s22], s20  }
0xa5: {  	s4 =	ssub.s32 $0x0, s20;
	[sflag:s22] =	ssyncset.done $0x0  }
0xa6: {  	[sflag:s22] =	ssyncadd.s32 s4;
	_ =	sdelay $0x1  }
0xa7: {  	s23 =	simm.s32 $0x1B8B  }
0xa8: {  	_ =	swait.ge [sflag:s23], $0x1  }
0xa9: {  	[sflag:s23] =	ssyncset.done $0x0  }
0xaa: {  	s25 =	simm.s32 $0x1B8E;
	s24 =	sld [smem:$0x3FFE];
	[sflag:s23] =	ssyncadd.s32 $0xFFFFFFFF  }
0xab: {  	s26 =	simm.s32 $execute0_lowered;
	[smem:$0x3FD2] =	sst s25  }
0xac: {  	s5 =	sshll.u32 s26, $0x1;
	_ =	strace $0x80000046;
	[dreg:$0x1] =	wrdreg $0xFFFFFFFF  }
0xad: {  	s28 =	simm.s32 $_size_execute0_lowered;
	s3 =	sadd.s32 s3, s5;
	[dreg:$0x0] =	wrdreg $0x0  }
0xae: {  	s5 =	sshll.u32 s28, $0x1;
	[dreg:$0x2] =	wrdreg s3  }
0xaf: {  	[dreg:$0x3] =	wrdreg s5  }
0xb0: {  	[dreg:$0x4] =	wrdreg $0xC0  }
0xb1: {  	_ =	task [dreg:s7], $0x5FFFF  }
0xb2: {  	[dreg:$0x1] =	wrdreg $0xFFFFFFFF  }
0xb3: {  	[dreg:$0x0] =	wrdreg $0x60  }
0xb4: {  	[dreg:$0x2] =	wrdreg s16  }
0xb5: {  	[dreg:$0x3] =	wrdreg s24  }
0xb6: {  	[dreg:$0x4] =	wrdreg $0x9  }
0xb7: {  	_ =	task.clear_ibuf [dreg:s7], $0x5FFFF;
	_ =	strace $0x90000046  }
0xb8: {  	s29 =	simm.s32 $0x9;
	_ =	strace $0x80000048  }
0xb9: {  	_ =	swait.ge [sflag:s29], $0x1  }
0xba: {  	[sflag:s29] =	ssyncadd.s32 $0xFFFFFFFF  }
0xbb: {  	_ =	strace $0x90000048  }
0xbc: {  	_ =	sfence  }
0xbd: {  	s30 =	sld [smem:$0x0];
	_ =	sdelay $0x2  }
0xbe: {  	s31 =	sshll.u32 s1, $0xD;
	s1 =	sshrl.u32 s1, $0x2  }
0xbf: {  	s3 =	sand.u32 $0x4000, s31;
	s1 =	sadd.s32 s1, s30  }
0xc0: {  	s0 =	sor.u32 s3, s0;
	s1 =	sshll.u32 s1, $0x11  }
0xc1: {  	s0 =	sor.u32 s1, s0  }
0xc2: {  	s0 =	sadd.s32 $0x8F2B, s0  }
0xc3: {  	[sflag:s0] =	ssyncadd.remote.s32 $0x1  }
0xc4: {  	_ =	sfence.sel $0xFFFF  }
0xc5: {  	[dreg:$0x0] =	wrdreg $0xFFFFFFFF;
	(pc) =	sbr.abs _section_cstart, $3  }
0xc6: {  	[dreg:$0x1] =	wrdreg $0xFFFFFFFF  }
0xc7: {  	_ =	task.clear_ibuf [dreg:s7], $0x2FFFF;
	_ =	strace $0x9FFFFFFF  }
0xc8: {  	(tm) =	ssettm $0x7FFFFFFF  }
0xc9: {  	_ =	shalt  }
tec
execute0_lowered:
.L_overlay_start_1:
0x0: {  	(tag) =	ssettag $0x1  }
0x1: {  	s0 =	stileid.u32  }
0x2: {  	s1 =	srdreg.scid;
	s2 =	sshll.u32 s0, $0x1  }
0x3: {  	s6 =	sand.u32 $0x1, s1;
	s3 =	sand.u32 $0x2, s2  }
0x4: {  	s3 =	sor.u32 s6, s3  }
0x5: {  	p0 =	seq.s32 s3, $0x3  }
.Ltmp0:
0x6: {  	_ = 	snop;
	(pc) =	sbr.rel @!p0 .LBB2_1-.Ltmp0, $4  }
0x7: {  	s4 =	rddreg [dreg:$0x0]  }
0x8: {  	s5 =	rddreg [dreg:$0x1];
	s2 =	simm.s32 $0x0  }
0x9: {  	[smem:$0x7FF] =	sst s2  }
0xa: {  	s1 =	rddreg [dreg:$0x2];
	_ =	strace $0x80000047  }
.LBB2_33:
0xb: {  	_ =	sfence.sel $0x180000  }
0xc: {  	[bflag:$0x0] =	sbarrier.arrive $0xFFFF  }
0xd: {  	p0 =	sne.s32 s0, $0x0;
	_ =	strace $0x90000047  }
0xe: {  	s0 =	sadd.s32 @!p0 $0x100000, s1;
	[bflag:$0x2] =	sbarrier.arrive $0xFFFF  }
0xf: {  	[sflag:s0] =	ssyncadd.tile.s32 @!p0 $0x1;
	_ =	shalt  }
.LBB2_1:
0x10: {  	s7 =	sshrl.u32 s0, $0x1;
	s8 =	sshll.u32 s3, $0x9  }
0x11: {  	s10 =	sadd.s32 $0xA00, s5;
	s6 =	ssub.s32 $0x2, s6;
	v0 =	vimm.s32 $0xFFEDCBA9;
	s31 =	sshll.u32 s3, $0xA  }
0x12: {  	v1 =	vimm.s32 $0x87654321;
	s11 =	simm.s32 $0x8800;
	s12 =	simm.s32 $0x9880;
	s13 =	simm.s32 $0x4800  }
0x13: {  	v2 =	vimm.s32 $0xEDCBA987;
	s14 =	simm.s32 $0x6800;
	s15 =	simm.s32 $0x9000;
	s16 =	simm.s32 $0xA080;
	v3 =	vunpack.c.l.s4.s8 v0;
	v1 =	vunpack.c.l.s4.s8 v1  }
0x14: {  	v4 =	vimm.s32 $0x65432100;
	s17 =	simm.s32 $0xA880;
	s18 =	simm.s32 $0xB080;
	s19 =	simm.s32 $0xB280;
	v0 =	vlaneseq.u32;
	v2 =	vunpack.c.l.s4.s8 v2  }
.Ltmp1:
0x15: {  	s20 =	simm.s32 $0x0;
	s9 =	sshll.u32 s7, $0x6;
	v4 =	vunpack.c.l.s4.s8 v4;
	v3 =	vunpack.c.0.s8.s32 v3;
	v5 =	vunpack.c.0.s8.s32 v1;
	(pc) =	sbr.rel .LBB2_2-.Ltmp1, $4  }
0x16: {  	s7 =	smul.u32 $0xC0, s7;
	s29 =	sshrl.u32 s6, $0x1;
	s8 =	sor.u32 s9, s8;
	v1 =	vmul.u32 $0x3, v0;
	v6 =	vunpack.c.0.s8.s32 v2  }
0x17: {  	s30 =	ssub.s32 s6, s29;
	s9 =	simm.s32 $0x1;
	s8 =	sadd.s32 s8, s5;
	v2 =	vimm.s32 $0x0;
	v7 =	vunpack.c.0.s8.s32 v4;
	v8 =	vcombine.low v5, v3  }
0x18: {  	s4 =	sadd.s32 s4, s7;
	s7 =	sadd.s32 s10, s31;
	s10 =	simm.s32 $0x2000;
	v4 =	vimm.s32 $0xF;
	v3 =	vimm.s32 $0x1;
	v6 =	vand.u32 $0xF, v6  }
0x19: {  	s5 =	sadd.s32 $0x1600, s8;
	s6 =	sadd.s32 $0x1C00, s8;
	s8 =	smax.u32 s30, $0x1;
	v5 =	vor.u32 $0x80000000, v0;
	v6 =	vcombine.low v7, v6;
	v7 =	vand.u32 $0xF, v8  }
.LBB2_32:
0x1a: {  	[hbm4b:s5+s2] =	stream.linear.scatter [tilespmem:s18], [sflag:$0x1], $0x200, $0x38;
	[tilespmem:$0xB480] =	vst v63  }
0x1b: {  	s20 =	sadd.s32 $0x1, s20;
	_ =	swait.ge [sflag:s9], $0x200  }
0x1c: {  	p0 =	sne.s32 s20, s8;
	[sflag:s9] =	ssyncset.done $0x0  }
.Ltmp2:
0x1d: {  	[sflag:s9] =	ssyncadd.s32 $0xFFFFFE00;
	(pc) =	sbr.rel @!p0 .LBB2_33-.Ltmp2, $4  }
0x1e: {  	[hbm4b:s6+s2] =	stream.linear.scatter [tilespmem:s19], [sflag:$0x1], $0x200, $0x38;
	[tilespmem:$0xB480] =	vst v63  }
0x1f: {  	_ =	swait.ge [sflag:s9], $0x200  }
0x20: {  	[sflag:s9] =	ssyncset.done $0x0  }
0x21: {  	[sflag:s9] =	ssyncadd.s32 $0xFFFFFE00  }
.LBB2_2:
0x22: {  	s21 =	simm.s32 $0x0  }
0x23: {  	[tilespmem:s21], [sflag:$0x1] =	stream.linear.gather [hbm4b:s7+s21], $0x2000, $0x38;
	[tilespmem:$0xB480] =	vst v63  }
0x24: {  	_ =	swait.ge [sflag:s9], $0x2000  }
0x25: {  	s22 =	sadd.s32 $0x0, s3;
	[sflag:s9] =	ssyncset.done $0x0  }
0x26: {  	v8 =	vadd.s32 s22, v1;
	[sflag:s9] =	ssyncadd.s32 $0xFFFFE000  }
0x27: {  	[tilespmem:s10], [sflag:$0x1] =	stream.linear.gather [hbm4b:s4+s21], $0x600, $0x38;
	[tilespmem:$0xB480] =	vst v63  }
0x28: {  	_ =	swait.ge [sflag:s9], $0x600  }
0x29: {  	[sflag:s9] =	ssyncset.done $0x0  }
0x2a: {  	[sflag:s9] =	ssyncadd.s32 $0xFFFFFA00  }
0x2b: {  	s31 =	sadd.s32 $0x30, s22;
	v8 =	vld.idx.msk [tilespmem:v8+s10+$0x0], $0xffff  }
0x2c: {  	v9 =	vadd.s32 s31, v1;
	_ =	sdelay $0x2  }
0x2d: {  	s21 =	simm.s32 $0x2620  }
0x2e: {  	[tilespmem:s21+$0xFFFFFFE0] =	vst v8  }
0x2f: {  	s23 =	sadd.s32 $0x60, s22;
	v8 =	vld.idx.msk [tilespmem:v9+s10+$0x0], $0xffff  }
0x30: {  	v9 =	vadd.s32 s23, v1;
	_ =	sdelay $0x3  }
0x31: {  	[tilespmem:s21+$0xFFFFFFF0] =	vst v8  }
0x32: {  	s22 =	sadd.s32 $0x90, s22;
	v8 =	vld.idx.msk [tilespmem:v9+s10+$0x0], $0xffff  }
0x33: {  	v9 =	vadd.s32 s22, v1;
	_ =	sdelay $0x3  }
0x34: {  	[tilespmem:s21+$0x0] =	vst v8  }
0x35: {  	s23 =	simm.s32 $0x180;
	s22 =	sadd.s32 $0xC0, s3;
	v8 =	vld.idx.msk [tilespmem:v9+s10+$0x0], $0xffff  }
.LBB2_3:
0x36: {  	p0 =	sne.s32 s23, $0x540;
	v9 =	vadd.s32 s22, v1;
	_ =	sdelay $0x3  }
0x37: {  	[tilespmem:s21+$0x10] =	vst v8  }
0x38: {  	v8 =	vld.idx.msk [tilespmem:v9+s10+$0x0], $0xffff  }
0x39: {  	s24 =	sadd.s32 $0x30, s22  }
0x3a: {  	v9 =	vadd.s32 s24, v1;
	_ =	sdelay $0x2  }
0x3b: {  	s21 =	sadd.s32 $0x40, s21  }
0x3c: {  	[tilespmem:s21+$0xFFFFFFE0] =	vst v8  }
0x3d: {  	v8 =	vld.idx.msk [tilespmem:v9+s10+$0x0], $0xffff  }
0x3e: {  	s24 =	sadd.s32 $0x60, s22  }
0x3f: {  	v9 =	vadd.s32 s24, v1;
	_ =	sdelay $0x3  }
0x40: {  	[tilespmem:s21+$0xFFFFFFF0] =	vst v8  }
0x41: {  	v8 =	vld.idx.msk [tilespmem:v9+s10+$0x0], $0xffff  }
0x42: {  	s22 =	sadd.s32 $0x90, s22  }
0x43: {  	v9 =	vadd.s32 s22, v1;
	_ =	sdelay $0x1  }
.Ltmp3:
0x44: {  	(pc) =	sbr.rel @p0 .LBB2_3-.Ltmp3, $4  }
0x45: {  	_ = 	snop  }
0x46: {  	[tilespmem:s21+$0x0] =	vst v8  }
0x47: {  	v8 =	vld.idx.msk [tilespmem:v9+s10+$0x0], $0xffff  }
0x48: {  	s22 =	sadd.s32 s23, s3;
	s23 =	sadd.s32 $0xC0, s23  }
0x49: {  	v9 =	vadd.s32 s22, v1;
	_ =	sdelay $0x3  }
0x4a: {  	[tilespmem:s21+$0x10] =	vst v8  }
0x4b: {  	s23 =	sadd.s32 $0x30, s22;
	v8 =	vld.idx.msk [tilespmem:v9+s10+$0x0], $0xffff  }
0x4c: {  	v9 =	vadd.s32 s23, v1;
	_ =	sdelay $0x2  }
0x4d: {  	s28 =	sadd.s32 $0x40, s21  }
0x4e: {  	[tilespmem:s28+$0xFFFFFFE0] =	vst v8  }
0x4f: {  	s29 =	sadd.s32 $0x60, s22;
	v8 =	vld.idx.msk [tilespmem:v9+s10+$0x0], $0xffff  }
0x50: {  	v9 =	vadd.s32 s29, v1;
	_ =	sdelay $0x3  }
0x51: {  	[tilespmem:s28+$0xFFFFFFF0] =	vst v8  }
0x52: {  	s30 =	sadd.s32 $0x90, s22;
	v8 =	vld.idx.msk [tilespmem:v9+s10+$0x0], $0xffff  }
0x53: {  	v9 =	vadd.s32 s30, v1;
	_ =	sdelay $0x3  }
0x54: {  	[tilespmem:s28+$0x0] =	vst v8  }
0x55: {  	v8 =	vld.idx.msk [tilespmem:v9+s10+$0x0], $0xffff;
	_ =	sdelay $0x4  }
0x56: {  	s31 =	simm.s32 $0x0;
	[tilespmem:s28+$0x10] =	vst v8  }
0x57: {  	v10 =	vld [tilespmem:s31+$0x0]  }
0x58: {  	v9 =	vld [tilespmem:s31+$0x10]  }
0x59: {  	v8 =	vld [tilespmem:s31+$0x20]  }
0x5a: {  	v12 =	vimm.f32 $+Inf;
	v13 =	vimm.f32 $-Inf;
	s21 =	simm.s32 $0x100;
	v11 =	vld [tilespmem:s31+$0x30]  }
.LBB2_5:
0x5b: {  	p0 =	sne.s32 s21, $0x7F00  }
.Ltmp4:
0x5c: {  	s22 =	sshra.s32 s21, $0x2;
	s21 =	sadd.s32 $0x100, s21;
	v12 =	vmin.f32 v12, v10;
	v13 =	vmax.f32 v13, v10;
	(pc) =	sbr.rel @p0 .LBB2_5-.Ltmp4, $4  }
0x5d: {  	v10 =	vld [tilespmem:s22+$0x0];
	v12 =	vmin.f32 v12, v9;
	v13 =	vmax.f32 v13, v9  }
0x5e: {  	v9 =	vld [tilespmem:s22+$0x10];
	v12 =	vmin.f32 v12, v8;
	v13 =	vmax.f32 v13, v8  }
0x5f: {  	v8 =	vld [tilespmem:s22+$0x20];
	v12 =	vmin.f32 v12, v11;
	v13 =	vmax.f32 v13, v11  }
0x60: {  	v11 =	vld [tilespmem:s22+$0x30]  }
0x61: {  	_ = 	snop  }
0x62: {  	v12 =	vmin.f32 v12, v10;
	v10 =	vmax.f32 v13, v10  }
0x63: {  	v12 =	vmin.f32 v12, v9;
	v9 =	vmax.f32 v10, v9  }
0x64: {  	v10 =	vmin.f32 v12, v8;
	v9 =	vmax.f32 v9, v8  }
0x65: {  	s22 =	simm.s32 $0x100;
	s21 =	simm.s32 $0x0;
	v8 =	vmin.f32 v10, v11;
	v9 =	vmax.f32 v9, v11  }
.LBB2_7:
0x66: {  	p0 =	sne.s32 s22, $0x1F00;
	[tilespmem:s21+$0x8830] =	vst v2;
	s23 =	smov.u32 s22;
	s22 =	sadd.s32 $0x100, s22  }
.Ltmp5:
0x67: {  	[tilespmem:s21+$0x8820] =	vst v2;
	(pc) =	sbr.rel @p0 .LBB2_7-.Ltmp5, $3  }
0x68: {  	[tilespmem:s21+$0x8800] =	vst v2  }
0x69: {  	[tilespmem:s21+$0x8810] =	vst v2;
	_ =	sdelay $0x1  }
0x6a: {  	s21 =	sshra.s32 s23, $0x2  }
0x6b: {  	(xrf0) =	vmin.scan.msk.f32 $0xffff, v8  }
0x6c: {  	(xrf0) =	vmax.scan.msk.f32 $0xffff, v9;
	_ =	sdelay $0x4  }
0x6d: {  	v8, _, _ =	vpop (xrf0)  }
0x6e: {  	v9, _, _ =	vpop (xrf0)  }
0x6f: {  	v9 =	vsub.f32 v9, v8;
	_ =	sdelay $0x1  }
0x70: {  	v9 =	vbroadcast v9, $0xF;
	_ =	sdelay $0x1  }
0x71: {  	(erf) = vrcp.f32 v9;
	_ =	sdelay $0x8  }
0x72: {  	[tilespmem:s21+$0x8830] =	vst v2;
	v10 =	vpop (erf)  }
0x73: {  	[tilespmem:s21+$0x8820] =	vst v2;
	v10 =	vmul.f32 $2.047000000e+03, v10  }
0x74: {  	[tilespmem:s21+$0x8800] =	vst v2;
	vm0 =	vgt.f32 v9, $0.0e+00  }
0x75: {  	[tilespmem:s21+$0x8810] =	vst v2;
	s21 =	simm.s32 $0x0;
	v8 =	vbroadcast v8, $0xF;
	v9 =	vnsel vm0, $0x0, v10  }
.LBB2_9:
0x76: {  	s22 =	sshra.s32 s21, $0x2  }
0x77: {  	v10 =	vld [tilespmem:s22+$0x0];
	_ =	sdelay $0x4  }
0x78: {  	v10 =	vsub.f32 v10, v8;
	_ =	sdelay $0x1  }
0x79: {  	v10 =	vmul.f32 v10, v9;
	_ =	sdelay $0x1  }
0x7a: {  	v10 =	vmax.f32 v10, $0.0e+00  }
0x7b: {  	v10 =	vmin.f32 v10, $2.047000000e+03  }
0x7c: {  	v10 =	vtrunc.f32 v10  }
0x7d: {  	v10 =	vcvt.f32.s32 v10;
	_ =	sdelay $0x4  }
0x7e: {  	[tilespmem:s22+$0x2800] =	vst v10  }
0x7f: {  	[tilespmem:v10+s11+$0x0] =	vst.idx.add.s32.msk $0xffff, v3  }
0x80: {  	v10 =	vld [tilespmem:s22+$0x10];
	_ =	sdelay $0x4  }
0x81: {  	v10 =	vsub.f32 v10, v8;
	_ =	sdelay $0x1  }
0x82: {  	v10 =	vmul.f32 v10, v9;
	_ =	sdelay $0x1  }
0x83: {  	v10 =	vmax.f32 v10, $0.0e+00  }
0x84: {  	v10 =	vmin.f32 v10, $2.047000000e+03  }
0x85: {  	v10 =	vtrunc.f32 v10  }
0x86: {  	v10 =	vcvt.f32.s32 v10;
	_ =	sdelay $0x4  }
0x87: {  	[tilespmem:s22+$0x2810] =	vst v10  }
0x88: {  	[tilespmem:v10+s11+$0x0] =	vst.idx.add.s32.msk $0xffff, v3  }
0x89: {  	v10 =	vld [tilespmem:s22+$0x20];
	_ =	sdelay $0x4  }
0x8a: {  	v10 =	vsub.f32 v10, v8;
	_ =	sdelay $0x1  }
0x8b: {  	v10 =	vmul.f32 v10, v9;
	_ =	sdelay $0x1  }
0x8c: {  	v10 =	vmax.f32 v10, $0.0e+00  }
0x8d: {  	v10 =	vmin.f32 v10, $2.047000000e+03  }
0x8e: {  	v10 =	vtrunc.f32 v10  }
0x8f: {  	v10 =	vcvt.f32.s32 v10;
	_ =	sdelay $0x4  }
0x90: {  	[tilespmem:s22+$0x2820] =	vst v10  }
0x91: {  	[tilespmem:v10+s11+$0x0] =	vst.idx.add.s32.msk $0xffff, v3  }
0x92: {  	v10 =	vld [tilespmem:s22+$0x30];
	_ =	sdelay $0x4  }
0x93: {  	v10 =	vsub.f32 v10, v8;
	_ =	sdelay $0x1  }
0x94: {  	v10 =	vmul.f32 v10, v9;
	_ =	sdelay $0x1  }
0x95: {  	v10 =	vmax.f32 v10, $0.0e+00  }
0x96: {  	v10 =	vmin.f32 v10, $2.047000000e+03  }
0x97: {  	v10 =	vtrunc.f32 v10  }
0x98: {  	v10 =	vcvt.f32.s32 v10;
	_ =	sdelay $0x4  }
0x99: {  	[tilespmem:s22+$0x2830] =	vst v10  }
0x9a: {  	[tilespmem:v10+s11+$0x0] =	vst.idx.add.s32.msk $0xffff, v3  }
0x9b: {  	v10 =	vld [tilespmem:s22+$0x40];
	_ =	sdelay $0x4  }
0x9c: {  	v10 =	vsub.f32 v10, v8;
	_ =	sdelay $0x1  }
0x9d: {  	v10 =	vmul.f32 v10, v9;
	_ =	sdelay $0x1  }
0x9e: {  	v10 =	vmax.f32 v10, $0.0e+00  }
0x9f: {  	v10 =	vmin.f32 v10, $2.047000000e+03  }
0xa0: {  	v10 =	vtrunc.f32 v10  }
0xa1: {  	v10 =	vcvt.f32.s32 v10;
	_ =	sdelay $0x4  }
0xa2: {  	[tilespmem:s22+$0x2840] =	vst v10  }
0xa3: {  	[tilespmem:v10+s11+$0x0] =	vst.idx.add.s32.msk $0xffff, v3  }
0xa4: {  	v10 =	vld [tilespmem:s22+$0x50];
	_ =	sdelay $0x4  }
0xa5: {  	v10 =	vsub.f32 v10, v8;
	_ =	sdelay $0x1  }
0xa6: {  	v10 =	vmul.f32 v10, v9;
	_ =	sdelay $0x1  }
0xa7: {  	v10 =	vmax.f32 v10, $0.0e+00  }
0xa8: {  	v10 =	vmin.f32 v10, $2.047000000e+03  }
0xa9: {  	v10 =	vtrunc.f32 v10  }
0xaa: {  	v10 =	vcvt.f32.s32 v10;
	_ =	sdelay $0x4  }
0xab: {  	[tilespmem:s22+$0x2850] =	vst v10  }
0xac: {  	[tilespmem:v10+s11+$0x0] =	vst.idx.add.s32.msk $0xffff, v3  }
0xad: {  	v10 =	vld [tilespmem:s22+$0x60];
	_ =	sdelay $0x4  }
0xae: {  	v10 =	vsub.f32 v10, v8;
	_ =	sdelay $0x1  }
0xaf: {  	v10 =	vmul.f32 v10, v9;
	_ =	sdelay $0x1  }
0xb0: {  	v10 =	vmax.f32 v10, $0.0e+00  }
0xb1: {  	v10 =	vmin.f32 v10, $2.047000000e+03  }
0xb2: {  	v10 =	vtrunc.f32 v10  }
0xb3: {  	v10 =	vcvt.f32.s32 v10;
	_ =	sdelay $0x4  }
0xb4: {  	[tilespmem:s22+$0x2860] =	vst v10  }
0xb5: {  	[tilespmem:v10+s11+$0x0] =	vst.idx.add.s32.msk $0xffff, v3  }
0xb6: {  	v10 =	vld [tilespmem:s22+$0x70];
	_ =	sdelay $0x4  }
0xb7: {  	v10 =	vsub.f32 v10, v8;
	_ =	sdelay $0x1  }
0xb8: {  	v10 =	vmul.f32 v10, v9;
	_ =	sdelay $0x1  }
0xb9: {  	v10 =	vmax.f32 v10, $0.0e+00  }
0xba: {  	v10 =	vmin.f32 v10, $2.047000000e+03  }
0xbb: {  	v10 =	vtrunc.f32 v10  }
0xbc: {  	v10 =	vcvt.f32.s32 v10  }
0xbd: {  	p0 =	sne.s32 s21, $0x7E00  }
.Ltmp6:
0xbe: {  	_ = 	snop;
	(pc) =	sbr.rel @p0 .LBB2_9-.Ltmp6, $3  }
0xbf: {  	_ =	sdelay $0x1  }
0xc0: {  	[tilespmem:s22+$0x2870] =	vst v10  }
0xc1: {  	s21 =	sadd.s32 $0x200, s21;
	[tilespmem:v10+s11+$0x0] =	vst.idx.add.s32.msk $0xffff, v3  }
0xc2: {  	s23 =	simm.s32 $0x0  }
0xc3: {  	v10 =	vld [tilespmem:s23+$0x8800]  }
0xc4: {  	v14 =	vld [tilespmem:s23+$0x8810];
	_ =	sdelay $0x3  }
0xc5: {  	s22 =	simm.s32 $0x20;
	(xrf0) =	vadd.scan.msk.s32 $0xffff, v10  }
0xc6: {  	v13 =	vld [tilespmem:s22+$0x8800];
	(xrf0) =	vadd.scan.msk.s32 $0xffff, v14  }
0xc7: {  	v12 =	vld [tilespmem:s22+$0x8810];
	_ =	sdelay $0x3  }
0xc8: {  	s21 =	simm.s32 $0x40;
	v15, _, _ =	vpop (xrf0);
	(xrf0) =	vadd.scan.msk.s32 $0xffff, v13  }
0xc9: {  	v16 =	vimm.s32 $0x0;
	v11 =	vld [tilespmem:s21+$0x8800];
	v17 =	vsub.s32 v15, v10;
	v15 =	vperm.xlane v15, v4;
	v18, _, _ =	vpop (xrf0);
	(xrf0) =	vadd.scan.msk.s32 $0xffff, v12  }
0xca: {  	v10 =	vld [tilespmem:s21+$0x8810];
	v17 =	vadd.s32 v16, v17;
	v19 =	vperm.xlane v18, v4  }
0xcb: {  	v14 =	vsub.s32 v18, v14;
	[tilespmem:s23+$0x9000] =	vst v17;
	v16 =	vadd.s32 v16, v15  }
0xcc: {  	s24 =	simm.s32 $0x180;
	[tilespmem:s23+$0x9880] =	vst v17;
	v15 =	vadd.s32 v16, v14;
	v14 =	vadd.s32 v16, v19  }
.LBB2_11:
0xcd: {  	p0 =	sne.s32 s24, $0x1F80;
	[tilespmem:s23+$0x9010] =	vst v15;
	s25 =	smov.u32 s24;
	s24 =	sadd.s32 $0x80, s24  }
.Ltmp7:
0xce: {  	s25 =	sshra.s32 s25, $0x2;
	(xrf0) =	vadd.scan.msk.s32 $0xffff, v11;
	v16, _, _ =	vpop (xrf0);
	[tilespmem:s23+$0x9890] =	vst v15;
	s23 =	smov.u32 s22;
	(pc) =	sbr.rel @p0 .LBB2_11-.Ltmp7, $4  }
0xcf: {  	s22 =	smov.u32 s21;
	(xrf0) =	vadd.scan.msk.s32 $0xffff, v10;
	v15 =	vsub.s32 v16, v13;
	v16 =	vperm.xlane v16, v4;
	v17, _, _ =	vpop (xrf0);
	v13 =	vmov v11;
	v11 =	vld [tilespmem:s25+$0x8800];
	s21 =	smov.u32 s25  }
0xd0: {  	v15 =	vadd.s32 v14, v15;
	v18 =	vsub.s32 v17, v12;
	v17 =	vperm.xlane v17, v4;
	v12 =	vmovc v10;
	v10 =	vld [tilespmem:s21+$0x8810]  }
0xd1: {  	[tilespmem:s23+$0x9000] =	vst v15;
	v14 =	vadd.s32 v14, v16  }
0xd2: {  	[tilespmem:s23+$0x9880] =	vst v15;
	v15 =	vadd.s32 v14, v18;
	v14 =	vadd.s32 v14, v17  }
0xd3: {  	_ = 	snop  }
0xd4: {  	(xrf0) =	vadd.scan.msk.s32 $0xffff, v11;
	_ =	sdelay $0x1  }
0xd5: {  	v16, _, _ =	vpop (xrf0);
	(xrf0) =	vadd.scan.msk.s32 $0xffff, v10  }
0xd6: {  	[tilespmem:s23+$0x9010] =	vst v15;
	v13 =	vsub.s32 v16, v13;
	v16 =	vperm.xlane v16, v4  }
0xd7: {  	[tilespmem:s23+$0x9890] =	vst v15;
	v60, _, _ =	vpop (xrf0);
	v13 =	vadd.s32 v14, v13  }
0xd8: {  	v12 =	vsub.s32 v60, v12;
	v15 =	vperm.xlane v60, v4;
	[tilespmem:s22+$0x9000] =	vst v13;
	v61 =	vadd.s32 v14, v16  }
0xd9: {  	[tilespmem:s22+$0x9880] =	vst v13;
	v12 =	vadd.s32 v61, v12;
	v62, _, _ =	vpop (xrf0)  }
0xda: {  	v14 =	vadd.s32 v61, v15;
	[tilespmem:s22+$0x9010] =	vst v12;
	v11 =	vsub.s32 v62, v11;
	v13 =	vperm.xlane v62, v4  }
0xdb: {  	[tilespmem:s22+$0x9890] =	vst v12;
	v63, _, _ =	vpop (xrf0);
	v11 =	vadd.s32 v14, v11  }
0xdc: {  	v10 =	vsub.s32 v63, v10;
	[tilespmem:s21+$0x9000] =	vst v11;
	v13 =	vadd.s32 v14, v13  }
0xdd: {  	v12 =	vperm.xlane v63, v4;
	[tilespmem:s21+$0x9880] =	vst v11;
	v10 =	vadd.s32 v13, v10  }
0xde: {  	[tilespmem:s21+$0x9010] =	vst v10  }
0xdf: {  	s23 =	simm.s32 $0x2820;
	v11 =	vadd.s32 v13, v12;
	[tilespmem:s21+$0x9890] =	vst v10  }
0xe0: {  	s24 =	simm.s32 $0x0;
	s22 =	simm.s32 $0x20;
	s21 =	simm.s32 $0x0;
	[tilespmem:$0x9800] =	vst v11  }
.LBB2_13:
0xe1: {  	v10 =	vld [tilespmem:s23+$0xFFFFFFE0];
	_ =	sdelay $0x4  }
0xe2: {  	(xrf1) =	vunique.msk.u32 $0xffff, v10;
	_ =	sdelay $0x9  }
0xe3: {  	v11 =	vld.idx.msk [tilespmem:v10+s12+$0x0], $0xffff;
	_ =	sdelay $0x3  }
0xe4: {  	_, v12, vm0 =	vpop (xrf1)  }
0xe5: {  	v11 =	vadd.s32 v11, v12  }
0xe6: {  	v13 =	vld [tilespmem:s22+$0xFFFFFFE0];
	v11 =	vadd.s32 $0xFFFFFFFF, v11;
	_ =	sdelay $0x4  }
0xe7: {  	v60 =	vor.u32 s24, v0;
	[tilespmem:v11+s13+$0x0] =	vst.idx.msk $0xffff, v13  }
0xe8: {  	[tilespmem:v11+s14+$0x0] =	vst.idx.msk $0xffff, v60  }
0xe9: {  	[tilespmem:v10+s12+$0x0] =	vst.idx.add.s32.msk vm0, v12  }
0xea: {  	v10 =	vld [tilespmem:s23+$0xFFFFFFF0];
	_ =	sdelay $0x4  }
0xeb: {  	(xrf1) =	vunique.msk.u32 $0xffff, v10;
	_ =	sdelay $0x9  }
0xec: {  	v11 =	vld.idx.msk [tilespmem:v10+s12+$0x0], $0xffff;
	_ =	sdelay $0x3  }
0xed: {  	_, v12, vm0 =	vpop (xrf1)  }
0xee: {  	v11 =	vadd.s32 v11, v12  }
0xef: {  	v13 =	vld [tilespmem:s22+$0xFFFFFFF0];
	v11 =	vadd.s32 $0xFFFFFFFF, v11;
	_ =	sdelay $0x3  }
0xf0: {  	s25 =	sadd.s32 $0x10, s24  }
0xf1: {  	v61 =	vor.u32 s25, v0;
	[tilespmem:v11+s13+$0x0] =	vst.idx.msk $0xffff, v13  }
0xf2: {  	[tilespmem:v11+s14+$0x0] =	vst.idx.msk $0xffff, v61  }
0xf3: {  	[tilespmem:v10+s12+$0x0] =	vst.idx.add.s32.msk vm0, v12  }
0xf4: {  	v10 =	vld [tilespmem:s23+$0x0];
	_ =	sdelay $0x4  }
0xf5: {  	(xrf1) =	vunique.msk.u32 $0xffff, v10;
	_ =	sdelay $0x9  }
0xf6: {  	v11 =	vld.idx.msk [tilespmem:v10+s12+$0x0], $0xffff;
	_ =	sdelay $0x3  }
0xf7: {  	_, v12, vm0 =	vpop (xrf1)  }
0xf8: {  	v11 =	vadd.s32 v11, v12  }
0xf9: {  	v13 =	vld [tilespmem:s22+$0x0];
	v11 =	vadd.s32 $0xFFFFFFFF, v11;
	_ =	sdelay $0x3  }
0xfa: {  	s30 =	sadd.s32 $0x20, s24  }
0xfb: {  	v62 =	vor.u32 s30, v0;
	[tilespmem:v11+s13+$0x0] =	vst.idx.msk $0xffff, v13  }
0xfc: {  	[tilespmem:v11+s14+$0x0] =	vst.idx.msk $0xffff, v62  }
0xfd: {  	[tilespmem:v10+s12+$0x0] =	vst.idx.add.s32.msk vm0, v12  }
0xfe: {  	v10 =	vld [tilespmem:s23+$0x10];
	_ =	sdelay $0x4  }
0xff: {  	(xrf1) =	vunique.msk.u32 $0xffff, v10;
	_ =	sdelay $0x9  }
0x100: {  	v11 =	vld.idx.msk [tilespmem:v10+s12+$0x0], $0xffff;
	_ =	sdelay $0x3  }
0x101: {  	_, v12, vm0 =	vpop (xrf1)  }
0x102: {  	v11 =	vadd.s32 v11, v12  }
0x103: {  	v13 =	vld [tilespmem:s22+$0x10];
	v11 =	vadd.s32 $0xFFFFFFFF, v11;
	_ =	sdelay $0x1  }
0x104: {  	p0 =	sne.s32 s24, $0x1FC0  }
.Ltmp8:
0x105: {  	_ = 	snop;
	(pc) =	sbr.rel @p0 .LBB2_13-.Ltmp8, $4  }
0x106: {  	s31 =	sadd.s32 $0x30, s24  }
0x107: {  	v63 =	vor.u32 s31, v0;
	[tilespmem:v11+s13+$0x0] =	vst.idx.msk $0xffff, v13  }
0x108: {  	[tilespmem:v11+s14+$0x0] =	vst.idx.msk $0xffff, v63  }
0x109: {  	s24 =	sadd.s32 $0x40, s24;
	s22 =	sadd.s32 $0x40, s22;
	s23 =	sadd.s32 $0x40, s23;
	[tilespmem:v10+s12+$0x0] =	vst.idx.add.s32.msk vm0, v12  }
0x10a: {  	v10 =	vimm.s32 $0xFFFFFFFF;
	s22 =	simm.s32 $0x8810;
	s23 =	simm.s32 $0xA090  }
.LBB2_15:
0x10b: {  	v11 =	vld [tilespmem:s22+$0xFFFFFFF0];
	_ =	sdelay $0x4  }
0x10c: {  	vm0 =	vgt.s32 v11, $0x0;
	v11 =	vor.u32 s21, v5  }
0x10d: {  	v11 =	vnsel vm0, $0x7FFFFFFF, v11  }
0x10e: {  	(xrf0) =	vmax.scan.msk.u32 $0xffff, v11;
	_ =	sdelay $0x5  }
0x10f: {  	v11, _, _ =	vpop (xrf0)  }
0x110: {  	v11 =	vxor.u32 $0x80000000, v11  }
0x111: {  	v12 =	vperm.xlane v11, v6  }
0x112: {  	vm12 =	veq.s32 v0, $0x0  }
0x113: {  	v12 =	vsel vm12, $0xFFFFFFFF, v12  }
0x114: {  	vm1 =	vgt.s32 v10, v12  }
0x115: {  	v12 =	vsel vm1, v10, v12  }
0x116: {  	v13 =	vor.u32 s21, v0;
	vm1 =	vlt.s32 v12, $0x0  }
0x117: {  	v12 =	vsel vm1, v13, v12;
	_ =	sdelay $0x4  }
0x118: {  	v12 =	vld.idx.msk [tilespmem:v12+s15+$0x0], $0xffff;
	_ =	sdelay $0x4  }
0x119: {  	[tilespmem:s23+$0xFFFFFFF0] =	vst v12  }
0x11a: {  	v12 =	vld [tilespmem:s22+$0x0];
	_ =	sdelay $0x3  }
0x11b: {  	s24 =	sadd.s32 $0x10, s21  }
0x11c: {  	v61 =	vor.u32 s24, v5;
	vm13 =	vgt.s32 v12, $0x0  }
0x11d: {  	v12 =	vnsel vm13, $0x7FFFFFFF, v61  }
0x11e: {  	(xrf0) =	vmax.scan.msk.u32 $0xffff, v12;
	_ =	sdelay $0x5  }
0x11f: {  	v12, _, _ =	vpop (xrf0)  }
0x120: {  	v11 =	vperm.xlane v11, v4;
	v12 =	vxor.u32 $0x80000000, v12  }
0x121: {  	v62 =	vperm.xlane v12, v6  }
0x122: {  	vm14 =	vgt.s32 v10, v11  }
0x123: {  	v10 =	vsel vm14, v10, v11;
	v11 =	vsel vm12, $0xFFFFFFFF, v62  }
0x124: {  	vm0 =	vgt.s32 v10, v11  }
0x125: {  	v11 =	vsel vm0, v10, v11  }
0x126: {  	v63 =	vor.u32 s24, v0;
	vm0 =	vlt.s32 v11, $0x0  }
0x127: {  	v11 =	vsel vm0, v63, v11;
	_ =	sdelay $0x4  }
0x128: {  	p0 =	sne.s32 s21, $0x7E0;
	v11 =	vld.idx.msk [tilespmem:v11+s15+$0x0], $0xffff  }
.Ltmp9:
0x129: {  	_ = 	snop;
	(pc) =	sbr.rel @p0 .LBB2_15-.Ltmp9, $3  }
0x12a: {  	v12 =	vperm.xlane v12, v4;
	_ =	sdelay $0x1  }
0x12b: {  	vm15 =	vgt.s32 v10, v12  }
0x12c: {  	s21 =	sadd.s32 $0x20, s21;
	s22 =	sadd.s32 $0x20, s22;
	v10 =	vsel vm15, v10, v12;
	[tilespmem:s23+$0x0] =	vst v11;
	s23 =	sadd.s32 $0x20, s23  }
0x12d: {  	v10 =	vimm.s32 $0x800;
	s22 =	simm.s32 $0x7E0;
	s23 =	simm.s32 $0xB070;
	s24 =	simm.s32 $0x8FF0  }
.LBB2_17:
0x12e: {  	v11 =	vld [tilespmem:s24+$0x0];
	_ =	sdelay $0x3  }
0x12f: {  	s21 =	sadd.s32 $0x10, s22  }
0x130: {  	v12 =	vor.u32 s21, v0;
	vm0 =	vgt.s32 v11, $0x0;
	v11 =	vmul.u32 $0xFFFFFFFF, v0  }
0x131: {  	v13 =	vnsel vm0, $0x800, v12  }
0x132: {  	v13 =	vsub.s32 $0x0, v13;
	v11 =	vadd.s32 $0xF, v11  }
0x133: {  	v13 =	vperm.xlane v13, v11;
	_ =	sdelay $0x1  }
0x134: {  	v13 =	vxor.u32 $0x80000000, v13  }
0x135: {  	(xrf0) =	vmax.scan.msk.u32 $0xffff, v13;
	_ =	sdelay $0x5  }
0x136: {  	v13, _, _ =	vpop (xrf0)  }
0x137: {  	v13 =	vxor.u32 $0x80000000, v13  }
0x138: {  	v13 =	vperm.xlane v13, v11;
	_ =	sdelay $0x1  }
0x139: {  	v13 =	vsub.s32 $0x0, v13  }
0x13a: {  	v14 =	vperm.xlane v13, v7  }
0x13b: {  	vm12 =	veq.s32 v0, $0xF  }
0x13c: {  	v14 =	vsel vm12, $0x800, v14  }
0x13d: {  	vm1 =	vlt.s32 v10, v14  }
0x13e: {  	v14 =	vsel vm1, v10, v14  }
0x13f: {  	vm1 =	vlt.s32 v14, $0x800  }
0x140: {  	v12 =	vsel vm1, v14, v12  }
0x141: {  	v12 =	vadd.s32 $0x1, v12;
	_ =	sdelay $0x4  }
0x142: {  	v12 =	vld.idx.msk [tilespmem:v12+s15+$0x0], $0xffff;
	_ =	sdelay $0x4  }
0x143: {  	[tilespmem:s23+$0x0] =	vst v12  }
0x144: {  	v12 =	vld [tilespmem:s24+$0xFFFFFFF0];
	_ =	sdelay $0x4  }
0x145: {  	v60 =	vor.u32 s22, v0;
	vm13 =	vgt.s32 v12, $0x0  }
0x146: {  	v12 =	vnsel vm13, $0x800, v60  }
0x147: {  	v12 =	vsub.s32 $0x0, v12  }
0x148: {  	v12 =	vperm.xlane v12, v11;
	_ =	sdelay $0x1  }
0x149: {  	v12 =	vxor.u32 $0x80000000, v12  }
0x14a: {  	(xrf0) =	vmax.scan.msk.u32 $0xffff, v12;
	_ =	sdelay $0x5  }
0x14b: {  	v12, _, _ =	vpop (xrf0)  }
0x14c: {  	v12 =	vxor.u32 $0x80000000, v12  }
0x14d: {  	v11 =	vperm.xlane v12, v11;
	_ =	sdelay $0x1  }
0x14e: {  	v61 =	vperm.xlane v13, v2;
	v11 =	vsub.s32 $0x0, v11  }
0x14f: {  	v62 =	vperm.xlane v11, v7  }
0x150: {  	vm14 =	vlt.s32 v10, v61  }
0x151: {  	v10 =	vsel vm14, v10, v61;
	v63 =	vsel vm12, $0x800, v62  }
0x152: {  	vm0 =	vlt.s32 v10, v63  }
0x153: {  	v12 =	vsel vm0, v10, v63  }
0x154: {  	vm0 =	vlt.s32 v12, $0x800  }
0x155: {  	v12 =	vsel vm0, v12, v60  }
0x156: {  	v12 =	vadd.s32 $0x1, v12;
	_ =	sdelay $0x4  }
0x157: {  	p0 =	sne.s32 s22, $0x0;
	v12 =	vld.idx.msk [tilespmem:v12+s15+$0x0], $0xffff  }
.Ltmp10:
0x158: {  	_ = 	snop;
	(pc) =	sbr.rel @p0 .LBB2_17-.Ltmp10, $3  }
0x159: {  	v11 =	vperm.xlane v11, v2;
	_ =	sdelay $0x1  }
0x15a: {  	s22 =	sadd.s32 $0xFFFFFFE0, s22;
	vm15 =	vlt.s32 v10, v11  }
0x15b: {  	s21 =	simm.s32 $0x0;
	s24 =	sadd.s32 $0xFFFFFFE0, s24;
	v10 =	vsel vm15, v10, v11;
	[tilespmem:s23+$0xFFFFFFF0] =	vst v12;
	s23 =	sadd.s32 $0xFFFFFFE0, s23  }
.Ltmp11:
0x15c: {  	(pc) =	sbr.rel .LBB2_19-.Ltmp11, $2  }
0x15d: {  	_ =	sdelay $0x2  }
0x15e: {  	s22 =	simm.s32 $0x0  }
.LBB2_21:
0x15f: {  	v25 =	vimm.f32 $+Inf;
	v26 =	vimm.s32 $0x2000;
	v28 =	vimm.f32 $0.0e+00  }
.LBB2_30:
0x160: {  	v24 =	vmul.f32 @p1 v24, v24  }
0x161: {  	v23 =	vsel @p2 vm4, v23, v25;
	v21 =	vsel @p2 vm4, v21, v26;
	v20 =	vnsel @p1 vm3, $0x2000, v20  }
0x162: {  	v25 =	vsel @p2 vm4, v27, v28;
	v26 =	vsub.f32 @p0 v12, v16;
	vm0 =	vmmov vm0  }
0x163: {  	vm2 =	vmmov @p0 vm2;
	v15 =	vpsel p0, v22, v15;
	v19 =	vpsel p1, v19, v0  }
0x164: {  	v14 =	vpsel p0, v16, v14;
	v21 =	vpsel p2, v21, v11;
	v23 =	vpsel p2, v23, v13  }
0x165: {  	vm0 =	vmmov vm0;
	vm1 =	vmmov @p0 vm2;
	v24 =	vnsel @p1 vm3, $0x7F800000, v24  }
0x166: {  	v14 =	vpsel p0, v14, v0;
	vm3 =	vlt.s32 @p1 v20, v21;
	vm4 =	veq.f32 @p1 v24, v23  }
0x167: {  	v60 =	vld.idx.msk [tilespmem:v18+s13+$0x0], $0xffff;
	v17 =	vpsel p0, v26, v17;
	vm5 =	vlt.f32 @p1 v24, v23;
	vm3 =	vmand @p1 vm3, vm4  }
0x168: {  	v61 =	vld.idx.msk [tilespmem:v18+s14+$0x0], $0xffff;
	v20 =	vpsel p1, v20, v0;
	v15 =	vnsel @p0 vm1, $0x2000, v15;
	vm3 =	vmor @p1 vm5, vm3  }
0x169: {  	v24 =	vpsel p1, v24, v0;
	v17 =	vmul.f32 @p0 v17, v17;
	vm3 =	vmmov @p1 vm3  }
0x16a: {  	vm0 =	vmmov vm0;
	v22 =	vsel @p1 vm3, v24, v23;
	v20 =	vsel @p1 vm3, v20, v21  }
0x16b: {  	v17 =	vnsel @p0 vm1, $0x7F800000, v17;
	v20 =	vpsel p1, v20, v11;
	v21 =	vpsel p1, v22, v13  }
0x16c: {  	v62 =	vsub.f32 v12, v60;
	vm1 =	vlt.s32 @p0 v15, v20;
	vm2 =	veq.f32 @p0 v17, v21  }
0x16d: {  	v18 =	vnsel vm0, $0x2000, v61;
	vm4 =	vlt.f32 @p0 v17, v21;
	vm1 =	vmand @p0 vm1, vm2  }
0x16e: {  	v12 =	vmul.f32 v62, v62;
	v22 =	vpsel p2, v25, v10;
	vm1 =	vmor @p0 vm4, vm1  }
0x16f: {  	v17 =	vpsel p0, v17, v0;
	v15 =	vpsel p0, v15, v0;
	vm1 =	vmmov @p0 vm1  }
0x170: {  	v16 =	vsel @p1 vm3, v19, v22;
	v17 =	vsel @p0 vm1, v17, v21;
	v15 =	vsel @p0 vm1, v15, v20  }
0x171: {  	v12 =	vnsel vm0, $0x7F800000, v12;
	v11 =	vpsel p0, v15, v11;
	v63 =	vpsel p0, v17, v13  }
0x172: {  	v15 =	vpsel p1, v16, v10;
	vm13 =	vlt.s32 v18, v11;
	vm14 =	veq.f32 v12, v63  }
0x173: {  	v14 =	vsel @p0 vm1, v14, v15;
	vm15 =	vlt.f32 v12, v63;
	vm0 =	vmand vm13, vm14  }
0x174: {  	v10 =	vpsel p0, v14, v10;
	vm0 =	vmor vm15, vm0  }
0x175: {  	v11 =	vsel vm0, v18, v11;
	v10 =	vsel vm0, v60, v10  }
.LBB2_31:
0x176: {  	s22 =	sadd.s32 $0x1, s22  }
0x177: {  	p0 =	sne.s32 s22, $0x20  }
.Ltmp12:
0x178: {  	_ = 	snop;
	(pc) =	sbr.rel @!p0 .LBB2_32-.Ltmp12, $3  }
0x179: {  	_ =	sdelay $0x1  }
0x17a: {  	[tilespmem:s23+$0xB080] =	vst v11  }
0x17b: {  	[tilespmem:s23+$0xB280] =	vst v10  }
.LBB2_19:
0x17c: {  	s23 =	sshll.u32 s22, $0x4  }
0x17d: {  	v12 =	vld [tilespmem:s23+$0x2600];
	_ =	sdelay $0x4  }
0x17e: {  	v10 =	vsub.f32 v12, v8;
	_ =	sdelay $0x1  }
0x17f: {  	v10 =	vmul.f32 v10, v9;
	_ =	sdelay $0x1  }
0x180: {  	v10 =	vmax.f32 v10, $0.0e+00  }
0x181: {  	v10 =	vmin.f32 v10, $2.047000000e+03  }
0x182: {  	v10 =	vtrunc.f32 v10  }
0x183: {  	v10 =	vcvt.f32.s32 v10;
	_ =	sdelay $0x5  }
0x184: {  	v19 =	vld.idx.msk [tilespmem:v10+s16+$0x0], $0xffff  }
0x185: {  	v20 =	vld.idx.msk [tilespmem:v10+s17+$0x0], $0xffff;
	_ =	sdelay $0x4  }
0x186: {  	v10 =	vsub.s32 v20, v19  }
0x187: {  	v10 =	vxor.u32 $0x80000000, v10  }
0x188: {  	(xrf0) =	vmax.scan.msk.u32 $0xffff, v10;
	_ =	sdelay $0x5  }
0x189: {  	v10, _, _ =	vpop (xrf0)  }
0x18a: {  	(v2sf) =	vpush v10, $0xF;
	_ =	sdelay $0xe  }
0x18b: {  	s24 =	spop (v2sf)  }
0x18c: {  	s24 =	sxor.u32 $0x80000000, s24  }
0x18d: {  	p0 =	slt.s32 s24, $0x1  }
.Ltmp13:
0x18e: {  	_ = 	snop;
	(pc) =	sbr.rel @p0 .LBB2_31-.Ltmp13, $2  }
0x18f: {  	_ =	sdelay $0x2  }
0x190: {  	v13 =	vimm.f32 $+Inf;
	v11 =	vimm.s32 $0x2000;
	v10 =	vimm.f32 $0.0e+00  }
0x191: {  	p3 =	sne.s32 s24, $0x1  }
.Ltmp14:
0x192: {  	_ = 	snop;
	(pc) =	sbr.rel @!p3 .LBB2_21-.Ltmp14, $4  }
0x193: {  	_ = 	snop  }
0x194: {  	v14 =	vadd.s32 s21, v19  }
0x195: {  	s25 =	simm.s32 $0x1;
	vm0 =	vlt.s32 v14, v20  }
0x196: {  	p0 =	por $0x0, $0x0;
	p1 =	por $0x0, $0x0;
	p2 =	por $0x0, $0x0;
	v18 =	vnsel vm0, $0x0, v14  }
0x197: {  	p3 =	sne.s32 s24, $0x2  }
.Ltmp15:
0x198: {  	_ = 	snop;
	(pc) =	sbr.rel @!p3 .LBB2_23-.Ltmp15, $4  }
0x199: {  	v15 =	vadd.s32 s25, v19  }
0x19a: {  	vm1 =	vmmov vm0;
	vm0 =	vlt.s32 v15, v20  }
0x19b: {  	v29 =	vnsel vm0, $0x0, v15;
	v15 =	vld.idx.msk [tilespmem:v18+s14+$0x0], $0xffff  }
0x19c: {  	v14 =	vld.idx.msk [tilespmem:v18+s13+$0x0], $0xffff;
	s25 =	simm.s32 $0x2;
	p0 =	por $0x1, $0x1;
	vm2 =	vmmov vm1  }
0x19d: {  	_ =	sdelay $0x1  }
0x19e: {  	p3 =	sne.s32 s24, $0x3  }
.Ltmp16:
0x19f: {  	_ = 	snop;
	(pc) =	sbr.rel @!p3 .LBB2_25-.Ltmp16, $4  }
0x1a0: {  	v16 =	vld.idx.msk [tilespmem:v29+s13+$0x0], $0xffff  }
0x1a1: {  	v18 =	vadd.s32 s25, v19;
	v22 =	vld.idx.msk [tilespmem:v29+s14+$0x0], $0xffff  }
0x1a2: {  	vm3 =	vmmov vm0;
	vm1 =	vmmov vm2;
	vm0 =	vlt.s32 v18, v20  }
0x1a3: {  	s25 =	simm.s32 $0x3;
	p1 =	por $0x1, $0x1;
	vm2 =	vmmov vm3;
	v18 =	vnsel vm0, $0x0, v18;
	v17 =	vsub.f32 v12, v14  }
0x1a4: {  	_ = 	snop  }
0x1a5: {  	v21 =	vnsel vm1, $0x2000, v15;
	vm5 =	vmmov vm0;
	p3 =	sne.s32 s24, $0x4;
	v23 =	vmul.f32 v17, v17  }
.Ltmp17:
0x1a6: {  	vm3 =	vmmov vm2;
	v25 =	vadd.s32 s25, v19;
	v26 =	vimm.s32 $0x2000;
	(pc) =	sbr.rel @!p3 .LBB2_27-.Ltmp17, $4  }
0x1a7: {  	v28 =	vimm.f32 $0.0e+00;
	vm4 =	vlt.s32 v21, v11;
	v23 =	vnsel vm1, $0x7F800000, v23  }
0x1a8: {  	vm0 =	vlt.s32 v25, v20;
	v24 =	vsub.f32 v12, v16;
	vm6 =	veq.f32 v23, v13  }
0x1a9: {  	v29 =	vld.idx.msk [tilespmem:v18+s13+$0x0], $0xffff;
	v30 =	vnsel vm0, $0x0, v25;
	vm2 =	vlt.f32 v23, v13;
	vm4 =	vmand vm4, vm6  }
0x1aa: {  	s25 =	simm.s32 $0x4;
	v31 =	vld.idx.msk [tilespmem:v18+s14+$0x0], $0xffff;
	p2 =	por $0x1, $0x1;
	v27 =	vmovc v14;
	v25 =	vimm.f32 $+Inf;
	vm4 =	vmor vm2, vm4;
	vm2 =	vmmov vm5  }
.LBB2_28:
0x1ab: {  	s26 =	smov.u32 s25;
	s25 =	sadd.s32 $0x1, s25  }
0x1ac: {  	v18 =	vmul.f32 v24, v24;
	v25 =	vsel vm4, v23, v25;
	v26 =	vsel vm4, v21, v26;
	p3 =	sne.s32 s24, s25  }
.Ltmp18:
0x1ad: {  	v21 =	vnsel vm3, $0x2000, v22;
	v28 =	vsel vm4, v27, v28;
	v27 =	vmovc v16;
	vm5 =	vmmov vm0;
	(pc) =	sbr.rel @p3 .LBB2_28-.Ltmp18, $4  }
0x1ae: {  	vm4 =	vlt.s32 v21, v26;
	v23 =	vnsel vm3, $0x7F800000, v18;
	vm3 =	vmmov vm2  }
0x1af: {  	v18 =	vadd.s32 s26, v19;
	vm2 =	vlt.f32 v23, v25;
	vm6 =	veq.f32 v23, v25  }
0x1b0: {  	vm0 =	vlt.s32 v18, v20;
	v24 =	vsub.f32 v12, v29;
	v16 =	vmovc v29;
	vm4 =	vmand vm4, vm6;
	v29 =	vld.idx.msk [tilespmem:v30+s13+$0x0], $0xffff  }
0x1b1: {  	v22 =	vmovc v31;
	vm4 =	vmor vm2, vm4;
	v31 =	vld.idx.msk [tilespmem:v30+s14+$0x0], $0xffff;
	v30 =	vnsel vm0, $0x0, v18;
	vm2 =	vmmov vm5  }
.Ltmp19:
0x1b2: {  	_ = 	snop;
	(pc) =	sbr.rel .LBB2_30-.Ltmp19, $2  }
0x1b3: {  	_ =	sdelay $0x2  }
0x1b4: {  	v20 =	vmovc v22;
	v19 =	vmovc v16;
	v18 =	vmov v30;
	v16 =	vmov v29;
	v22 =	vmov v31  }
.LBB2_23:
.Ltmp20:
0x1b5: {  	_ = 	snop;
	(pc) =	sbr.rel .LBB2_30-.Ltmp20, $3  }
0x1b6: {  	_ =	sdelay $0x1  }
0x1b7: {  	v25 =	vimm.f32 $+Inf  }
0x1b8: {  	v26 =	vimm.s32 $0x2000;
	v28 =	vimm.f32 $0.0e+00;
	v18 =	vmovc v29;
	v22 =	vmovc v15;
	v16 =	vmov v14  }
.LBB2_25:
.Ltmp21:
0x1b9: {  	(pc) =	sbr.rel .LBB2_30-.Ltmp21, $3  }
0x1ba: {  	_ =	sdelay $0x1  }
0x1bb: {  	v25 =	vimm.f32 $+Inf;
	v26 =	vimm.s32 $0x2000  }
0x1bc: {  	vm3 =	vmmov vm1;
	v20 =	vmovc v15;
	v28 =	vimm.f32 $0.0e+00;
	v19 =	vmovc v14;
	v24 =	vmov v17  }
.LBB2_27:
.Ltmp22:
0x1bd: {  	_ = 	snop;
	(pc) =	sbr.rel .LBB2_30-.Ltmp22, $3  }
0x1be: {  	_ =	sdelay $0x1  }
0x1bf: {  	v20 =	vmovc v22;
	v19 =	vmov v16;
	v25 =	vimm.f32 $+Inf;
	v26 =	vimm.s32 $0x2000  }
0x1c0: {  	v27 =	vmovc v14;
	v28 =	vimm.f32 $0.0e+00;
	v18 =	vmovc v30;
	v16 =	vmov v29;
	v22 =	vmov v31  }
.Lfunc_end2:
_tile_overlayer_lowered:
.L_overlay_start_2:
0x1c1: {  	(tag) =	ssettag $0x2  }
0x1c2: {  	s0 =	rddreg [dreg:$0x0];
	s2 =	stileid.u32  }
0x1c3: {  	s1 =	rddreg [dreg:$0x1];
	p0 =	sne.s32 s2, $0x0  }
0x1c4: {  	s3 =	rddreg [dreg:$0x2];
	[bflag:$0x3] =	sbarrier.arrive $0xFFFF;
	s2 =	simm.s32 @!p0 $0x1C01  }
0x1c5: {  	[timem:s3], [sflag:s2] =	dma.local @!p0 [hbm:s0], s1  }
0x1c6: {  	s0 =	simm.s32 @!p0 $0x1  }
0x1c7: {  	_ =	swait.ge @!p0 [sflag:s0], s1  }
0x1c8: {  	s1 =	ssub.s32 @!p0 $0x0, s1;
	[sflag:s0] =	ssyncset.done @!p0 $0x0  }
0x1c9: {  	[sflag:s0] =	ssyncadd.s32 @!p0 s1  }
0x1ca: {  	[bflag:$0x3] =	sbarrier.arrive $0xFFFF  }
0x1cb: {  	_ =	shalt  }

</sc_bundles>
